<compile_context>
chip_gen: v7x
topology: tpu7x:2x2x1
jax: 0.10.2.dev20260603
libtpu: 0.0.44.dev20260713+nightly
codegen_flags: <defaults>
</compile_context>

<pallas_src>
import functools

import jax
import jax.numpy as jnp
from jax import lax
from jax.experimental import pallas as pl
from jax.experimental.pallas import tpu as pltpu
from jax.experimental.pallas import tpu_sc as plsc

_B_ROWS = 4096
_N_FEAT = 26
_D = 128

_info = plsc.get_sparse_core_info()
_NC, _NS = _info.num_cores, _info.num_subcores
_NW = _NC * _NS

_TOTAL = _B_ROWS * _N_FEAT
_PER_W = _TOTAL // _NW
_CHUNK = 208
_NBUF = 4
_G = 3
_N_CHUNKS = _PER_W // _CHUNK


@functools.partial(
    pl.kernel,
    mesh=plsc.VectorSubcoreMesh(core_axis_name="c", subcore_axis_name="s"),
    out_type=jax.ShapeDtypeStruct((_TOTAL, _D), jnp.float32),
    scratch_types=[
        pltpu.VMEM((_PER_W,), jnp.int32),
        pltpu.VMEM((_NBUF, _CHUNK, _D), jnp.float32),
    ]
    + [pltpu.SemaphoreType.DMA] * (2 * _NBUF),
)
def _gather_kernel(table_hbm, idx_hbm, out_hbm, idx_v, rows_v, *sems):
    gsems = sems[:_NBUF]
    osems = sems[_NBUF:]
    wid = lax.axis_index("s") * _NC + lax.axis_index("c")
    base = wid * _PER_W
    pltpu.sync_copy(idx_hbm.at[pl.ds(base, _PER_W)], idx_v)

    def gather(j):
        pltpu.async_copy(
            table_hbm.at[idx_v.at[pl.ds(j * _CHUNK, _CHUNK)]],
            rows_v.at[j % _NBUF],
            gsems[j % _NBUF],
        )

    def wait_gather(j):
        pltpu.make_async_copy(
            table_hbm.at[idx_v.at[pl.ds(j * _CHUNK, _CHUNK)]],
            rows_v.at[j % _NBUF],
            gsems[j % _NBUF],
        ).wait()

    def out_start(j):
        pltpu.async_copy(
            rows_v.at[j % _NBUF],
            out_hbm.at[pl.ds(base + j * _CHUNK, _CHUNK)],
            osems[j % _NBUF],
        )

    def out_wait(j):
        pltpu.make_async_copy(
            rows_v.at[j % _NBUF],
            out_hbm.at[pl.ds(base + j * _CHUNK, _CHUNK)],
            osems[j % _NBUF],
        ).wait()

    for j in range(_G):
        gather(j)
    for c in range(_N_CHUNKS):
        wait_gather(c)
        out_start(c)
        j = c + _G
        if j < _N_CHUNKS:
            if j - _NBUF >= 0:
                out_wait(j - _NBUF)
            gather(j)
    for j in range(max(0, _N_CHUNKS - _NBUF), _N_CHUNKS):
        out_wait(j)


def kernel(feat, emb_feat):
    flat = feat.reshape(-1).astype(jnp.int32)
    out = _gather_kernel(emb_feat, flat)
    return out.reshape(_B_ROWS, _N_FEAT, _D)

# --- scband reference (transcript-rebuilt; emitter-appended) ---
"""Pipeline reference for scband-feat-embed-8950711845028 (READ-ONLY COPY).

The authoritative reference and input builder live on the scoring server;
editing this copy changes nothing except your own understanding.
"""

import jax, jax.numpy as jnp
import numpy as np

FEAT_VOCAB_SIZE = 100000
EMBED_SIZE = 128
PADDING_IDX = 0

def setup_inputs(seed: int = 0) -> dict:
    key = jax.random.key(seed)
    k_idx, k_tab = jax.random.split(key)
    feat = jax.random.randint(k_idx, (4096, 26), 0, FEAT_VOCAB_SIZE, dtype=jnp.int64 if jax.config.jax_enable_x64 else jnp.int32)
    feat = feat.astype(jnp.int32)
    # nn.Embedding default init: N(0,1); padding_idx row zeroed at init
    emb_feat = jax.random.normal(k_tab, (FEAT_VOCAB_SIZE, EMBED_SIZE), dtype=jnp.float32)
    emb_feat = emb_feat.at[PADDING_IDX].set(0.0)
    return {"feat": feat, "emb_feat": emb_feat}

def reference(feat, emb_feat):
    # faithful to torch: emb_feat(feat) is a row-gather from the table
    # padding_idx row is zero (set at init); forward is a plain gather
    featEmbed = jnp.take(emb_feat, feat, axis=0)
    return featEmbed.astype(jnp.float32)

if __name__ == "__main__":
    import jax
    _d = setup_inputs()
    print(jax.jit(kernel)(*tuple(_d.values())))

</pallas_src>

<mosaic_0001>
#map = affine_map<(d0, d1) -> (0, 0)>
#map1 = affine_map<(d0, d1) -> (0)>
module attributes {stable_mosaic.version = 14 : i64} {
  func.func @_gather_kernel(%arg0: i32, %arg1: i32, %arg2: memref<100000x128xf32, #tpu.memory_space<hbm>>, %arg3: memref<106496xi32, #tpu.memory_space<hbm>>, %arg4: memref<106496x128xf32, #tpu.memory_space<hbm>>, %arg5: memref<3328xi32, #tpu.memory_space<vmem>>, %arg6: memref<4x208x128xf32, #tpu.memory_space<vmem>>, %arg7: memref<!tpu.dma_semaphore, #tpu.memory_space<semaphore_mem>>, %arg8: memref<!tpu.dma_semaphore, #tpu.memory_space<semaphore_mem>>, %arg9: memref<!tpu.dma_semaphore, #tpu.memory_space<semaphore_mem>>, %arg10: memref<!tpu.dma_semaphore, #tpu.memory_space<semaphore_mem>>, %arg11: memref<!tpu.dma_semaphore, #tpu.memory_space<semaphore_mem>>, %arg12: memref<!tpu.dma_semaphore, #tpu.memory_space<semaphore_mem>>, %arg13: memref<!tpu.dma_semaphore, #tpu.memory_space<semaphore_mem>>, %arg14: memref<!tpu.dma_semaphore, #tpu.memory_space<semaphore_mem>>) attributes {dimension_semantics = [#tpu.dimension_semantics<core_parallel>, #tpu.dimension_semantics<subcore_parallel>], iteration_bounds = array<i64: 2, 16>, scalar_prefetch = 0 : i64, scratch_operands = 10 : i64, tpu.core_type = #tpu.core_type<sc_vector_subcore>, window_params = [{transform_indices = #map}, {transform_indices = #map1}, {transform_indices = #map}]} {
    %mul3A = arith.constant 2 : i32
    %mul3A_0 = arith.muli %arg1, %mul3A : i32
    %add3A = arith.addi %mul3A_0, %arg0 : i32
    %mul3A_1 = arith.constant 3328 : i32
    %mul3A_2 = arith.muli %add3A, %mul3A_1 : i32
    "tpu.region"() ({
      %run_scoped3A = tpu.sem_alloc : memref<!tpu.dma_semaphore, #tpu.memory_space<semaphore_mem>>
      %dma_start3A_801 = tpu.memref_slice %arg3[%mul3A_2] : memref<106496xi32, #tpu.memory_space<hbm>> -> memref<3328xi32, #tpu.memory_space<hbm>>
      %dma_start3A_802 = tpu.memref_slice %arg3[%mul3A_2] : memref<106496xi32, #tpu.memory_space<hbm>> -> memref<3328xi32, #tpu.memory_space<hbm>>
      tpu.enqueue_dma source(%dma_start3A_802 : memref<3328xi32, #tpu.memory_space<hbm>>) target(%arg5 : memref<3328xi32, #tpu.memory_space<vmem>>) target_semaphore(%run_scoped3A : memref<!tpu.dma_semaphore, #tpu.memory_space<semaphore_mem>>)
      %dma_wait3A_803 = tpu.memref_slice %arg3[%mul3A_2] : memref<106496xi32, #tpu.memory_space<hbm>> -> memref<3328xi32, #tpu.memory_space<hbm>>
      %dma_wait3A_804 = tpu.memref_slice %arg3[%mul3A_2] : memref<106496xi32, #tpu.memory_space<hbm>> -> memref<3328xi32, #tpu.memory_space<hbm>>
      tpu.wait_dma2 semaphore(%run_scoped3A : memref<!tpu.dma_semaphore, #tpu.memory_space<semaphore_mem>>) src(%dma_wait3A_804 : memref<3328xi32, #tpu.memory_space<hbm>>) dst(%arg5 : memref<3328xi32, #tpu.memory_space<vmem>>)
      tpu.yield
    }) : () -> ()
    %dma_start3A = arith.constant 0 : i32
    %dma_start3A_3 = arith.constant 0 : i32
    %dma_start3A_4 = arith.constant 0 : i32
    %dma_start3A_5 = tpu.memref_slice %arg6[%dma_start3A, %dma_start3A_3, %dma_start3A_4] : memref<4x208x128xf32, #tpu.memory_space<vmem>> -> memref<1x208x128xf32, #tpu.memory_space<vmem>>
    %dma_start3A_6 = tpu.memref_squeeze %dma_start3A_5 : memref<1x208x128xf32, #tpu.memory_space<vmem>> -> memref<208x128xf32, #tpu.memory_space<vmem>>
    %dma_start3A_7 = arith.constant 0 : i32
    %dma_start3A_8 = tpu.memref_slice %arg5[%dma_start3A_7] : memref<3328xi32, #tpu.memory_space<vmem>> -> memref<208xi32, #tpu.memory_space<vmem>>
    %dma_start3A_9 = arith.constant 0 : i32
    %dma_start3A_10 = arith.constant 0 : i32
    %dma_start3A_11 = tpu.memref_slice %arg2[%dma_start3A_9, %dma_start3A_10] : memref<100000x128xf32, #tpu.memory_space<hbm>> -> memref<100000x128xf32, #tpu.memory_space<hbm>>
    tpu.enqueue_indirect_dma source(%dma_start3A_11 : memref<100000x128xf32, #tpu.memory_space<hbm>>) target(%dma_start3A_6 : memref<208x128xf32, #tpu.memory_space<vmem>>) offsets(%dma_start3A_8 : memref<208xi32, #tpu.memory_space<vmem>>) semaphore(%arg7 : memref<!tpu.dma_semaphore, #tpu.memory_space<semaphore_mem>>)
    %dma_start3A_12 = arith.constant 1 : i32
    %dma_start3A_13 = arith.constant 0 : i32
    %dma_start3A_14 = arith.constant 0 : i32
    %dma_start3A_15 = tpu.memref_slice %arg6[%dma_start3A_12, %dma_start3A_13, %dma_start3A_14] : memref<4x208x128xf32, #tpu.memory_space<vmem>> -> memref<1x208x128xf32, #tpu.memory_space<vmem>>
    %dma_start3A_16 = tpu.memref_squeeze %dma_start3A_15 : memref<1x208x128xf32, #tpu.memory_space<vmem>> -> memref<208x128xf32, #tpu.memory_space<vmem>>
    %dma_start3A_17 = arith.constant 208 : i32
    %dma_start3A_18 = tpu.memref_slice %arg5[%dma_start3A_17] : memref<3328xi32, #tpu.memory_space<vmem>> -> memref<208xi32, #tpu.memory_space<vmem>>
    %dma_start3A_19 = arith.constant 0 : i32
    %dma_start3A_20 = arith.constant 0 : i32
    %dma_start3A_21 = tpu.memref_slice %arg2[%dma_start3A_19, %dma_start3A_20] : memref<100000x128xf32, #tpu.memory_space<hbm>> -> memref<100000x128xf32, #tpu.memory_space<hbm>>
    tpu.enqueue_indirect_dma source(%dma_start3A_21 : memref<100000x128xf32, #tpu.memory_space<hbm>>) target(%dma_start3A_16 : memref<208x128xf32, #tpu.memory_space<vmem>>) offsets(%dma_start3A_18 : memref<208xi32, #tpu.memory_space<vmem>>) semaphore(%arg8 : memref<!tpu.dma_semaphore, #tpu.memory_space<semaphore_mem>>)
    %dma_start3A_22 = arith.constant 2 : i32
    %dma_start3A_23 = arith.constant 0 : i32
    %dma_start3A_24 = arith.constant 0 : i32
    %dma_start3A_25 = tpu.memref_slice %arg6[%dma_start3A_22, %dma_start3A_23, %dma_start3A_24] : memref<4x208x128xf32, #tpu.memory_space<vmem>> -> memref<1x208x128xf32, #tpu.memory_space<vmem>>
    %dma_start3A_26 = tpu.memref_squeeze %dma_start3A_25 : memref<1x208x128xf32, #tpu.memory_space<vmem>> -> memref<208x128xf32, #tpu.memory_space<vmem>>
    %dma_start3A_27 = arith.constant 416 : i32
    %dma_start3A_28 = tpu.memref_slice %arg5[%dma_start3A_27] : memref<3328xi32, #tpu.memory_space<vmem>> -> memref<208xi32, #tpu.memory_space<vmem>>
    %dma_start3A_29 = arith.constant 0 : i32
    %dma_start3A_30 = arith.constant 0 : i32
    %dma_start3A_31 = tpu.memref_slice %arg2[%dma_start3A_29, %dma_start3A_30] : memref<100000x128xf32, #tpu.memory_space<hbm>> -> memref<100000x128xf32, #tpu.memory_space<hbm>>
    tpu.enqueue_indirect_dma source(%dma_start3A_31 : memref<100000x128xf32, #tpu.memory_space<hbm>>) target(%dma_start3A_26 : memref<208x128xf32, #tpu.memory_space<vmem>>) offsets(%dma_start3A_28 : memref<208xi32, #tpu.memory_space<vmem>>) semaphore(%arg9 : memref<!tpu.dma_semaphore, #tpu.memory_space<semaphore_mem>>)
    %dma_wait3A = arith.constant 0 : i32
    %dma_wait3A_32 = arith.constant 0 : i32
    %dma_wait3A_33 = arith.constant 0 : i32
    %dma_wait3A_34 = tpu.memref_slice %arg6[%dma_wait3A, %dma_wait3A_32, %dma_wait3A_33] : memref<4x208x128xf32, #tpu.memory_space<vmem>> -> memref<1x208x128xf32, #tpu.memory_space<vmem>>
    %dma_wait3A_35 = tpu.memref_squeeze %dma_wait3A_34 : memref<1x208x128xf32, #tpu.memory_space<vmem>> -> memref<208x128xf32, #tpu.memory_space<vmem>>
    %dma_wait3A_36 = arith.constant 0 : i32
    %dma_wait3A_37 = tpu.memref_slice %arg5[%dma_wait3A_36] : memref<3328xi32, #tpu.memory_space<vmem>> -> memref<208xi32, #tpu.memory_space<vmem>>
    %dma_wait3A_38 = arith.constant 0 : i32
    %dma_wait3A_39 = arith.constant 0 : i32
    %dma_wait3A_40 = tpu.memref_slice %arg2[%dma_wait3A_38, %dma_wait3A_39] : memref<100000x128xf32, #tpu.memory_space<hbm>> -> memref<100000x128xf32, #tpu.memory_space<hbm>>
    tpu.wait_indirect_dma semaphore(%arg7 : memref<!tpu.dma_semaphore, #tpu.memory_space<semaphore_mem>>) src(%dma_wait3A_40 : memref<100000x128xf32, #tpu.memory_space<hbm>>) dst(%dma_wait3A_35 : memref<208x128xf32, #tpu.memory_space<vmem>>)
    %add3A_41 = arith.constant 0 : i32
    %add3A_42 = arith.addi %mul3A_2, %add3A_41 : i32
    %dma_start3A_43 = arith.constant 0 : i32
    %dma_start3A_44 = arith.constant 0 : i32
    %dma_start3A_45 = arith.constant 0 : i32
    %dma_start3A_46 = tpu.memref_slice %arg6[%dma_start3A_43, %dma_start3A_44, %dma_start3A_45] : memref<4x208x128xf32, #tpu.memory_space<vmem>> -> memref<1x208x128xf32, #tpu.memory_space<vmem>>
    %dma_start3A_47 = tpu.memref_squeeze %dma_start3A_46 : memref<1x208x128xf32, #tpu.memory_space<vmem>> -> memref<208x128xf32, #tpu.memory_space<vmem>>
    %dma_start3A_48 = arith.constant 0 : i32
    %dma_start3A_49 = tpu.memref_slice %arg4[%add3A_42, %dma_start3A_48] : memref<106496x128xf32, #tpu.memory_space<hbm>> -> memref<208x128xf32, #tpu.memory_space<hbm>>
    %dma_start3A_50 = arith.constant 0 : i32
    %dma_start3A_51 = tpu.memref_slice %arg4[%add3A_42, %dma_start3A_50] : memref<106496x128xf32, #tpu.memory_space<hbm>> -> memref<208x128xf32, #tpu.memory_space<hbm>>
    %dma_start3A_52 = arith.constant 0 : i32
    %dma_start3A_53 = arith.constant 0 : i32
    %dma_start3A_54 = tpu.memref_slice %arg6[%dma_start3A_43, %dma_start3A_52, %dma_start3A_53] : memref<4x208x128xf32, #tpu.memory_space<vmem>> -> memref<1x208x128xf32, #tpu.memory_space<vmem>>
    %dma_start3A_55 = tpu.memref_squeeze %dma_start3A_54 : memref<1x208x128xf32, #tpu.memory_space<vmem>> -> memref<208x128xf32, #tpu.memory_space<vmem>>
    tpu.enqueue_dma source(%dma_start3A_55 : memref<208x128xf32, #tpu.memory_space<vmem>>) target(%dma_start3A_51 : memref<208x128xf32, #tpu.memory_space<hbm>>) target_semaphore(%arg11 : memref<!tpu.dma_semaphore, #tpu.memory_space<semaphore_mem>>)
    %dma_start3A_56 = arith.constant 3 : i32
    %dma_start3A_57 = arith.constant 0 : i32
    %dma_start3A_58 = arith.constant 0 : i32
    %dma_start3A_59 = tpu.memref_slice %arg6[%dma_start3A_56, %dma_start3A_57, %dma_start3A_58] : memref<4x208x128xf32, #tpu.memory_space<vmem>> -> memref<1x208x128xf32, #tpu.memory_space<vmem>>
    %dma_start3A_60 = tpu.memref_squeeze %dma_start3A_59 : memref<1x208x128xf32, #tpu.memory_space<vmem>> -> memref<208x128xf32, #tpu.memory_space<vmem>>
    %dma_start3A_61 = arith.constant 624 : i32
    %dma_start3A_62 = tpu.memref_slice %arg5[%dma_start3A_61] : memref<3328xi32, #tpu.memory_space<vmem>> -> memref<208xi32, #tpu.memory_space<vmem>>
    %dma_start3A_63 = arith.constant 0 : i32
    %dma_start3A_64 = arith.constant 0 : i32
    %dma_start3A_65 = tpu.memref_slice %arg2[%dma_start3A_63, %dma_start3A_64] : memref<100000x128xf32, #tpu.memory_space<hbm>> -> memref<100000x128xf32, #tpu.memory_space<hbm>>
    tpu.enqueue_indirect_dma source(%dma_start3A_65 : memref<100000x128xf32, #tpu.memory_space<hbm>>) target(%dma_start3A_60 : memref<208x128xf32, #tpu.memory_space<vmem>>) offsets(%dma_start3A_62 : memref<208xi32, #tpu.memory_space<vmem>>) semaphore(%arg10 : memref<!tpu.dma_semaphore, #tpu.memory_space<semaphore_mem>>)
    %dma_wait3A_66 = arith.constant 1 : i32
    %dma_wait3A_67 = arith.constant 0 : i32
    %dma_wait3A_68 = arith.constant 0 : i32
    %dma_wait3A_69 = tpu.memref_slice %arg6[%dma_wait3A_66, %dma_wait3A_67, %dma_wait3A_68] : memref<4x208x128xf32, #tpu.memory_space<vmem>> -> memref<1x208x128xf32, #tpu.memory_space<vmem>>
    %dma_wait3A_70 = tpu.memref_squeeze %dma_wait3A_69 : memref<1x208x128xf32, #tpu.memory_space<vmem>> -> memref<208x128xf32, #tpu.memory_space<vmem>>
    %dma_wait3A_71 = arith.constant 208 : i32
    %dma_wait3A_72 = tpu.memref_slice %arg5[%dma_wait3A_71] : memref<3328xi32, #tpu.memory_space<vmem>> -> memref<208xi32, #tpu.memory_space<vmem>>
    %dma_wait3A_73 = arith.constant 0 : i32
    %dma_wait3A_74 = arith.constant 0 : i32
    %dma_wait3A_75 = tpu.memref_slice %arg2[%dma_wait3A_73, %dma_wait3A_74] : memref<100000x128xf32, #tpu.memory_space<hbm>> -> memref<100000x128xf32, #tpu.memory_space<hbm>>
    tpu.wait_indirect_dma semaphore(%arg8 : memref<!tpu.dma_semaphore, #tpu.memory_space<semaphore_mem>>) src(%dma_wait3A_75 : memref<100000x128xf32, #tpu.memory_space<hbm>>) dst(%dma_wait3A_70 : memref<208x128xf32, #tpu.memory_space<vmem>>)
    %add3A_76 = arith.constant 208 : i32
    %add3A_77 = arith.addi %mul3A_2, %add3A_76 : i32
    %dma_start3A_78 = arith.constant 1 : i32
    %dma_start3A_79 = arith.constant 0 : i32
    %dma_start3A_80 = arith.constant 0 : i32
    %dma_start3A_81 = tpu.memref_slice %arg6[%dma_start3A_78, %dma_start3A_79, %dma_start3A_80] : memref<4x208x128xf32, #tpu.memory_space<vmem>> -> memref<1x208x128xf32, #tpu.memory_space<vmem>>
    %dma_start3A_82 = tpu.memref_squeeze %dma_start3A_81 : memref<1x208x128xf32, #tpu.memory_space<vmem>> -> memref<208x128xf32, #tpu.memory_space<vmem>>
    %dma_start3A_83 = arith.constant 0 : i32
    %dma_start3A_84 = tpu.memref_slice %arg4[%add3A_77, %dma_start3A_83] : memref<106496x128xf32, #tpu.memory_space<hbm>> -> memref<208x128xf32, #tpu.memory_space<hbm>>
    %dma_start3A_85 = arith.constant 0 : i32
    %dma_start3A_86 = tpu.memref_slice %arg4[%add3A_77, %dma_start3A_85] : memref<106496x128xf32, #tpu.memory_space<hbm>> -> memref<208x128xf32, #tpu.memory_space<hbm>>
    %dma_start3A_87 = arith.constant 0 : i32
    %dma_start3A_88 = arith.constant 0 : i32
    %dma_start3A_89 = tpu.memref_slice %arg6[%dma_start3A_78, %dma_start3A_87, %dma_start3A_88] : memref<4x208x128xf32, #tpu.memory_space<vmem>> -> memref<1x208x128xf32, #tpu.memory_space<vmem>>
    %dma_start3A_90 = tpu.memref_squeeze %dma_start3A_89 : memref<1x208x128xf32, #tpu.memory_space<vmem>> -> memref<208x128xf32, #tpu.memory_space<vmem>>
    tpu.enqueue_dma source(%dma_start3A_90 : memref<208x128xf32, #tpu.memory_space<vmem>>) target(%dma_start3A_86 : memref<208x128xf32, #tpu.memory_space<hbm>>) target_semaphore(%arg12 : memref<!tpu.dma_semaphore, #tpu.memory_space<semaphore_mem>>)
    %add3A_91 = arith.constant 0 : i32
    %add3A_92 = arith.addi %mul3A_2, %add3A_91 : i32
    %dma_wait3A_93 = arith.constant 0 : i32
    %dma_wait3A_94 = arith.constant 0 : i32
    %dma_wait3A_95 = arith.constant 0 : i32
    %dma_wait3A_96 = tpu.memref_slice %arg6[%dma_wait3A_93, %dma_wait3A_94, %dma_wait3A_95] : memref<4x208x128xf32, #tpu.memory_space<vmem>> -> memref<1x208x128xf32, #tpu.memory_space<vmem>>
    %dma_wait3A_97 = tpu.memref_squeeze %dma_wait3A_96 : memref<1x208x128xf32, #tpu.memory_space<vmem>> -> memref<208x128xf32, #tpu.memory_space<vmem>>
    %dma_wait3A_98 = arith.constant 0 : i32
    %dma_wait3A_99 = tpu.memref_slice %arg4[%add3A_92, %dma_wait3A_98] : memref<106496x128xf32, #tpu.memory_space<hbm>> -> memref<208x128xf32, #tpu.memory_space<hbm>>
    %dma_wait3A_100 = arith.constant 0 : i32
    %dma_wait3A_101 = tpu.memref_slice %arg4[%add3A_92, %dma_wait3A_100] : memref<106496x128xf32, #tpu.memory_space<hbm>> -> memref<208x128xf32, #tpu.memory_space<hbm>>
    %dma_wait3A_102 = arith.constant 0 : i32
    %dma_wait3A_103 = arith.constant 0 : i32
    %dma_wait3A_104 = tpu.memref_slice %arg6[%dma_wait3A_93, %dma_wait3A_102, %dma_wait3A_103] : memref<4x208x128xf32, #tpu.memory_space<vmem>> -> memref<1x208x128xf32, #tpu.memory_space<vmem>>
    %dma_wait3A_105 = tpu.memref_squeeze %dma_wait3A_104 : memref<1x208x128xf32, #tpu.memory_space<vmem>> -> memref<208x128xf32, #tpu.memory_space<vmem>>
    tpu.wait_dma2 semaphore(%arg11 : memref<!tpu.dma_semaphore, #tpu.memory_space<semaphore_mem>>) src(%dma_wait3A_105 : memref<208x128xf32, #tpu.memory_space<vmem>>) dst(%dma_wait3A_101 : memref<208x128xf32, #tpu.memory_space<hbm>>)
    %dma_start3A_106 = arith.constant 0 : i32
    %dma_start3A_107 = arith.constant 0 : i32
    %dma_start3A_108 = arith.constant 0 : i32
    %dma_start3A_109 = tpu.memref_slice %arg6[%dma_start3A_106, %dma_start3A_107, %dma_start3A_108] : memref<4x208x128xf32, #tpu.memory_space<vmem>> -> memref<1x208x128xf32, #tpu.memory_space<vmem>>
    %dma_start3A_110 = tpu.memref_squeeze %dma_start3A_109 : memref<1x208x128xf32, #tpu.memory_space<vmem>> -> memref<208x128xf32, #tpu.memory_space<vmem>>
    %dma_start3A_111 = arith.constant 832 : i32
    %dma_start3A_112 = tpu.memref_slice %arg5[%dma_start3A_111] : memref<3328xi32, #tpu.memory_space<vmem>> -> memref<208xi32, #tpu.memory_space<vmem>>
    %dma_start3A_113 = arith.constant 0 : i32
    %dma_start3A_114 = arith.constant 0 : i32
    %dma_start3A_115 = tpu.memref_slice %arg2[%dma_start3A_113, %dma_start3A_114] : memref<100000x128xf32, #tpu.memory_space<hbm>> -> memref<100000x128xf32, #tpu.memory_space<hbm>>
    tpu.enqueue_indirect_dma source(%dma_start3A_115 : memref<100000x128xf32, #tpu.memory_space<hbm>>) target(%dma_start3A_110 : memref<208x128xf32, #tpu.memory_space<vmem>>) offsets(%dma_start3A_112 : memref<208xi32, #tpu.memory_space<vmem>>) semaphore(%arg7 : memref<!tpu.dma_semaphore, #tpu.memory_space<semaphore_mem>>)
    %dma_wait3A_116 = arith.constant 2 : i32
    %dma_wait3A_117 = arith.constant 0 : i32
    %dma_wait3A_118 = arith.constant 0 : i32
    %dma_wait3A_119 = tpu.memref_slice %arg6[%dma_wait3A_116, %dma_wait3A_117, %dma_wait3A_118] : memref<4x208x128xf32, #tpu.memory_space<vmem>> -> memref<1x208x128xf32, #tpu.memory_space<vmem>>
    %dma_wait3A_120 = tpu.memref_squeeze %dma_wait3A_119 : memref<1x208x128xf32, #tpu.memory_space<vmem>> -> memref<208x128xf32, #tpu.memory_space<vmem>>
    %dma_wait3A_121 = arith.constant 416 : i32
    %dma_wait3A_122 = tpu.memref_slice %arg5[%dma_wait3A_121] : memref<3328xi32, #tpu.memory_space<vmem>> -> memref<208xi32, #tpu.memory_space<vmem>>
    %dma_wait3A_123 = arith.constant 0 : i32
    %dma_wait3A_124 = arith.constant 0 : i32
    %dma_wait3A_125 = tpu.memref_slice %arg2[%dma_wait3A_123, %dma_wait3A_124] : memref<100000x128xf32, #tpu.memory_space<hbm>> -> memref<100000x128xf32, #tpu.memory_space<hbm>>
    tpu.wait_indirect_dma semaphore(%arg9 : memref<!tpu.dma_semaphore, #tpu.memory_space<semaphore_mem>>) src(%dma_wait3A_125 : memref<100000x128xf32, #tpu.memory_space<hbm>>) dst(%dma_wait3A_120 : memref<208x128xf32, #tpu.memory_space<vmem>>)
    %add3A_126 = arith.constant 416 : i32
    %add3A_127 = arith.addi %mul3A_2, %add3A_126 : i32
    %dma_start3A_128 = arith.constant 2 : i32
    %dma_start3A_129 = arith.constant 0 : i32
    %dma_start3A_130 = arith.constant 0 : i32
    %dma_start3A_131 = tpu.memref_slice %arg6[%dma_start3A_128, %dma_start3A_129, %dma_start3A_130] : memref<4x208x128xf32, #tpu.memory_space<vmem>> -> memref<1x208x128xf32, #tpu.memory_space<vmem>>
    %dma_start3A_132 = tpu.memref_squeeze %dma_start3A_131 : memref<1x208x128xf32, #tpu.memory_space<vmem>> -> memref<208x128xf32, #tpu.memory_space<vmem>>
    %dma_start3A_133 = arith.constant 0 : i32
    %dma_start3A_134 = tpu.memref_slice %arg4[%add3A_127, %dma_start3A_133] : memref<106496x128xf32, #tpu.memory_space<hbm>> -> memref<208x128xf32, #tpu.memory_space<hbm>>
    %dma_start3A_135 = arith.constant 0 : i32
    %dma_start3A_136 = tpu.memref_slice %arg4[%add3A_127, %dma_start3A_135] : memref<106496x128xf32, #tpu.memory_space<hbm>> -> memref<208x128xf32, #tpu.memory_space<hbm>>
    %dma_start3A_137 = arith.constant 0 : i32
    %dma_start3A_138 = arith.constant 0 : i32
    %dma_start3A_139 = tpu.memref_slice %arg6[%dma_start3A_128, %dma_start3A_137, %dma_start3A_138] : memref<4x208x128xf32, #tpu.memory_space<vmem>> -> memref<1x208x128xf32, #tpu.memory_space<vmem>>
    %dma_start3A_140 = tpu.memref_squeeze %dma_start3A_139 : memref<1x208x128xf32, #tpu.memory_space<vmem>> -> memref<208x128xf32, #tpu.memory_space<vmem>>
    tpu.enqueue_dma source(%dma_start3A_140 : memref<208x128xf32, #tpu.memory_space<vmem>>) target(%dma_start3A_136 : memref<208x128xf32, #tpu.memory_space<hbm>>) target_semaphore(%arg13 : memref<!tpu.dma_semaphore, #tpu.memory_space<semaphore_mem>>)
    %add3A_141 = arith.constant 208 : i32
    %add3A_142 = arith.addi %mul3A_2, %add3A_141 : i32
    %dma_wait3A_143 = arith.constant 1 : i32
    %dma_wait3A_144 = arith.constant 0 : i32
    %dma_wait3A_145 = arith.constant 0 : i32
    %dma_wait3A_146 = tpu.memref_slice %arg6[%dma_wait3A_143, %dma_wait3A_144, %dma_wait3A_145] : memref<4x208x128xf32, #tpu.memory_space<vmem>> -> memref<1x208x128xf32, #tpu.memory_space<vmem>>
    %dma_wait3A_147 = tpu.memref_squeeze %dma_wait3A_146 : memref<1x208x128xf32, #tpu.memory_space<vmem>> -> memref<208x128xf32, #tpu.memory_space<vmem>>
    %dma_wait3A_148 = arith.constant 0 : i32
    %dma_wait3A_149 = tpu.memref_slice %arg4[%add3A_142, %dma_wait3A_148] : memref<106496x128xf32, #tpu.memory_space<hbm>> -> memref<208x128xf32, #tpu.memory_space<hbm>>
    %dma_wait3A_150 = arith.constant 0 : i32
    %dma_wait3A_151 = tpu.memref_slice %arg4[%add3A_142, %dma_wait3A_150] : memref<106496x128xf32, #tpu.memory_space<hbm>> -> memref<208x128xf32, #tpu.memory_space<hbm>>
    %dma_wait3A_152 = arith.constant 0 : i32
    %dma_wait3A_153 = arith.constant 0 : i32
    %dma_wait3A_154 = tpu.memref_slice %arg6[%dma_wait3A_143, %dma_wait3A_152, %dma_wait3A_153] : memref<4x208x128xf32, #tpu.memory_space<vmem>> -> memref<1x208x128xf32, #tpu.memory_space<vmem>>
    %dma_wait3A_155 = tpu.memref_squeeze %dma_wait3A_154 : memref<1x208x128xf32, #tpu.memory_space<vmem>> -> memref<208x128xf32, #tpu.memory_space<vmem>>
    tpu.wait_dma2 semaphore(%arg12 : memref<!tpu.dma_semaphore, #tpu.memory_space<semaphore_mem>>) src(%dma_wait3A_155 : memref<208x128xf32, #tpu.memory_space<vmem>>) dst(%dma_wait3A_151 : memref<208x128xf32, #tpu.memory_space<hbm>>)
    %dma_start3A_156 = arith.constant 1 : i32
    %dma_start3A_157 = arith.constant 0 : i32
    %dma_start3A_158 = arith.constant 0 : i32
    %dma_start3A_159 = tpu.memref_slice %arg6[%dma_start3A_156, %dma_start3A_157, %dma_start3A_158] : memref<4x208x128xf32, #tpu.memory_space<vmem>> -> memref<1x208x128xf32, #tpu.memory_space<vmem>>
    %dma_start3A_160 = tpu.memref_squeeze %dma_start3A_159 : memref<1x208x128xf32, #tpu.memory_space<vmem>> -> memref<208x128xf32, #tpu.memory_space<vmem>>
    %dma_start3A_161 = arith.constant 1040 : i32
    %dma_start3A_162 = tpu.memref_slice %arg5[%dma_start3A_161] : memref<3328xi32, #tpu.memory_space<vmem>> -> memref<208xi32, #tpu.memory_space<vmem>>
    %dma_start3A_163 = arith.constant 0 : i32
    %dma_start3A_164 = arith.constant 0 : i32
    %dma_start3A_165 = tpu.memref_slice %arg2[%dma_start3A_163, %dma_start3A_164] : memref<100000x128xf32, #tpu.memory_space<hbm>> -> memref<100000x128xf32, #tpu.memory_space<hbm>>
    tpu.enqueue_indirect_dma source(%dma_start3A_165 : memref<100000x128xf32, #tpu.memory_space<hbm>>) target(%dma_start3A_160 : memref<208x128xf32, #tpu.memory_space<vmem>>) offsets(%dma_start3A_162 : memref<208xi32, #tpu.memory_space<vmem>>) semaphore(%arg8 : memref<!tpu.dma_semaphore, #tpu.memory_space<semaphore_mem>>)
    %dma_wait3A_166 = arith.constant 3 : i32
    %dma_wait3A_167 = arith.constant 0 : i32
    %dma_wait3A_168 = arith.constant 0 : i32
    %dma_wait3A_169 = tpu.memref_slice %arg6[%dma_wait3A_166, %dma_wait3A_167, %dma_wait3A_168] : memref<4x208x128xf32, #tpu.memory_space<vmem>> -> memref<1x208x128xf32, #tpu.memory_space<vmem>>
    %dma_wait3A_170 = tpu.memref_squeeze %dma_wait3A_169 : memref<1x208x128xf32, #tpu.memory_space<vmem>> -> memref<208x128xf32, #tpu.memory_space<vmem>>
    %dma_wait3A_171 = arith.constant 624 : i32
    %dma_wait3A_172 = tpu.memref_slice %arg5[%dma_wait3A_171] : memref<3328xi32, #tpu.memory_space<vmem>> -> memref<208xi32, #tpu.memory_space<vmem>>
    %dma_wait3A_173 = arith.constant 0 : i32
    %dma_wait3A_174 = arith.constant 0 : i32
    %dma_wait3A_175 = tpu.memref_slice %arg2[%dma_wait3A_173, %dma_wait3A_174] : memref<100000x128xf32, #tpu.memory_space<hbm>> -> memref<100000x128xf32, #tpu.memory_space<hbm>>
    tpu.wait_indirect_dma semaphore(%arg10 : memref<!tpu.dma_semaphore, #tpu.memory_space<semaphore_mem>>) src(%dma_wait3A_175 : memref<100000x128xf32, #tpu.memory_space<hbm>>) dst(%dma_wait3A_170 : memref<208x128xf32, #tpu.memory_space<vmem>>)
    %add3A_176 = arith.constant 624 : i32
    %add3A_177 = arith.addi %mul3A_2, %add3A_176 : i32
    %dma_start3A_178 = arith.constant 3 : i32
    %dma_start3A_179 = arith.constant 0 : i32
    %dma_start3A_180 = arith.constant 0 : i32
    %dma_start3A_181 = tpu.memref_slice %arg6[%dma_start3A_178, %dma_start3A_179, %dma_start3A_180] : memref<4x208x128xf32, #tpu.memory_space<vmem>> -> memref<1x208x128xf32, #tpu.memory_space<vmem>>
    %dma_start3A_182 = tpu.memref_squeeze %dma_start3A_181 : memref<1x208x128xf32, #tpu.memory_space<vmem>> -> memref<208x128xf32, #tpu.memory_space<vmem>>
    %dma_start3A_183 = arith.constant 0 : i32
    %dma_start3A_184 = tpu.memref_slice %arg4[%add3A_177, %dma_start3A_183] : memref<106496x128xf32, #tpu.memory_space<hbm>> -> memref<208x128xf32, #tpu.memory_space<hbm>>
    %dma_start3A_185 = arith.constant 0 : i32
    %dma_start3A_186 = tpu.memref_slice %arg4[%add3A_177, %dma_start3A_185] : memref<106496x128xf32, #tpu.memory_space<hbm>> -> memref<208x128xf32, #tpu.memory_space<hbm>>
    %dma_start3A_187 = arith.constant 0 : i32
    %dma_start3A_188 = arith.constant 0 : i32
    %dma_start3A_189 = tpu.memref_slice %arg6[%dma_start3A_178, %dma_start3A_187, %dma_start3A_188] : memref<4x208x128xf32, #tpu.memory_space<vmem>> -> memref<1x208x128xf32, #tpu.memory_space<vmem>>
    %dma_start3A_190 = tpu.memref_squeeze %dma_start3A_189 : memref<1x208x128xf32, #tpu.memory_space<vmem>> -> memref<208x128xf32, #tpu.memory_space<vmem>>
    tpu.enqueue_dma source(%dma_start3A_190 : memref<208x128xf32, #tpu.memory_space<vmem>>) target(%dma_start3A_186 : memref<208x128xf32, #tpu.memory_space<hbm>>) target_semaphore(%arg14 : memref<!tpu.dma_semaphore, #tpu.memory_space<semaphore_mem>>)
    %add3A_191 = arith.constant 416 : i32
    %add3A_192 = arith.addi %mul3A_2, %add3A_191 : i32
    %dma_wait3A_193 = arith.constant 2 : i32
    %dma_wait3A_194 = arith.constant 0 : i32
    %dma_wait3A_195 = arith.constant 0 : i32
    %dma_wait3A_196 = tpu.memref_slice %arg6[%dma_wait3A_193, %dma_wait3A_194, %dma_wait3A_195] : memref<4x208x128xf32, #tpu.memory_space<vmem>> -> memref<1x208x128xf32, #tpu.memory_space<vmem>>
    %dma_wait3A_197 = tpu.memref_squeeze %dma_wait3A_196 : memref<1x208x128xf32, #tpu.memory_space<vmem>> -> memref<208x128xf32, #tpu.memory_space<vmem>>
    %dma_wait3A_198 = arith.constant 0 : i32
    %dma_wait3A_199 = tpu.memref_slice %arg4[%add3A_192, %dma_wait3A_198] : memref<106496x128xf32, #tpu.memory_space<hbm>> -> memref<208x128xf32, #tpu.memory_space<hbm>>
    %dma_wait3A_200 = arith.constant 0 : i32
    %dma_wait3A_201 = tpu.memref_slice %arg4[%add3A_192, %dma_wait3A_200] : memref<106496x128xf32, #tpu.memory_space<hbm>> -> memref<208x128xf32, #tpu.memory_space<hbm>>
    %dma_wait3A_202 = arith.constant 0 : i32
    %dma_wait3A_203 = arith.constant 0 : i32
    %dma_wait3A_204 = tpu.memref_slice %arg6[%dma_wait3A_193, %dma_wait3A_202, %dma_wait3A_203] : memref<4x208x128xf32, #tpu.memory_space<vmem>> -> memref<1x208x128xf32, #tpu.memory_space<vmem>>
    %dma_wait3A_205 = tpu.memref_squeeze %dma_wait3A_204 : memref<1x208x128xf32, #tpu.memory_space<vmem>> -> memref<208x128xf32, #tpu.memory_space<vmem>>
    tpu.wait_dma2 semaphore(%arg13 : memref<!tpu.dma_semaphore, #tpu.memory_space<semaphore_mem>>) src(%dma_wait3A_205 : memref<208x128xf32, #tpu.memory_space<vmem>>) dst(%dma_wait3A_201 : memref<208x128xf32, #tpu.memory_space<hbm>>)
    %dma_start3A_206 = arith.constant 2 : i32
    %dma_start3A_207 = arith.constant 0 : i32
    %dma_start3A_208 = arith.constant 0 : i32
    %dma_start3A_209 = tpu.memref_slice %arg6[%dma_start3A_206, %dma_start3A_207, %dma_start3A_208] : memref<4x208x128xf32, #tpu.memory_space<vmem>> -> memref<1x208x128xf32, #tpu.memory_space<vmem>>
    %dma_start3A_210 = tpu.memref_squeeze %dma_start3A_209 : memref<1x208x128xf32, #tpu.memory_space<vmem>> -> memref<208x128xf32, #tpu.memory_space<vmem>>
    %dma_start3A_211 = arith.constant 1248 : i32
    %dma_start3A_212 = tpu.memref_slice %arg5[%dma_start3A_211] : memref<3328xi32, #tpu.memory_space<vmem>> -> memref<208xi32, #tpu.memory_space<vmem>>
    %dma_start3A_213 = arith.constant 0 : i32
    %dma_start3A_214 = arith.constant 0 : i32
    %dma_start3A_215 = tpu.memref_slice %arg2[%dma_start3A_213, %dma_start3A_214] : memref<100000x128xf32, #tpu.memory_space<hbm>> -> memref<100000x128xf32, #tpu.memory_space<hbm>>
    tpu.enqueue_indirect_dma source(%dma_start3A_215 : memref<100000x128xf32, #tpu.memory_space<hbm>>) target(%dma_start3A_210 : memref<208x128xf32, #tpu.memory_space<vmem>>) offsets(%dma_start3A_212 : memref<208xi32, #tpu.memory_space<vmem>>) semaphore(%arg9 : memref<!tpu.dma_semaphore, #tpu.memory_space<semaphore_mem>>)
    %dma_wait3A_216 = arith.constant 0 : i32
    %dma_wait3A_217 = arith.constant 0 : i32
    %dma_wait3A_218 = arith.constant 0 : i32
    %dma_wait3A_219 = tpu.memref_slice %arg6[%dma_wait3A_216, %dma_wait3A_217, %dma_wait3A_218] : memref<4x208x128xf32, #tpu.memory_space<vmem>> -> memref<1x208x128xf32, #tpu.memory_space<vmem>>
    %dma_wait3A_220 = tpu.memref_squeeze %dma_wait3A_219 : memref<1x208x128xf32, #tpu.memory_space<vmem>> -> memref<208x128xf32, #tpu.memory_space<vmem>>
    %dma_wait3A_221 = arith.constant 832 : i32
    %dma_wait3A_222 = tpu.memref_slice %arg5[%dma_wait3A_221] : memref<3328xi32, #tpu.memory_space<vmem>> -> memref<208xi32, #tpu.memory_space<vmem>>
    %dma_wait3A_223 = arith.constant 0 : i32
    %dma_wait3A_224 = arith.constant 0 : i32
    %dma_wait3A_225 = tpu.memref_slice %arg2[%dma_wait3A_223, %dma_wait3A_224] : memref<100000x128xf32, #tpu.memory_space<hbm>> -> memref<100000x128xf32, #tpu.memory_space<hbm>>
    tpu.wait_indirect_dma semaphore(%arg7 : memref<!tpu.dma_semaphore, #tpu.memory_space<semaphore_mem>>) src(%dma_wait3A_225 : memref<100000x128xf32, #tpu.memory_space<hbm>>) dst(%dma_wait3A_220 : memref<208x128xf32, #tpu.memory_space<vmem>>)
    %add3A_226 = arith.constant 832 : i32
    %add3A_227 = arith.addi %mul3A_2, %add3A_226 : i32
    %dma_start3A_228 = arith.constant 0 : i32
    %dma_start3A_229 = arith.constant 0 : i32
    %dma_start3A_230 = arith.constant 0 : i32
    %dma_start3A_231 = tpu.memref_slice %arg6[%dma_start3A_228, %dma_start3A_229, %dma_start3A_230] : memref<4x208x128xf32, #tpu.memory_space<vmem>> -> memref<1x208x128xf32, #tpu.memory_space<vmem>>
    %dma_start3A_232 = tpu.memref_squeeze %dma_start3A_231 : memref<1x208x128xf32, #tpu.memory_space<vmem>> -> memref<208x128xf32, #tpu.memory_space<vmem>>
    %dma_start3A_233 = arith.constant 0 : i32
    %dma_start3A_234 = tpu.memref_slice %arg4[%add3A_227, %dma_start3A_233] : memref<106496x128xf32, #tpu.memory_space<hbm>> -> memref<208x128xf32, #tpu.memory_space<hbm>>
    %dma_start3A_235 = arith.constant 0 : i32
    %dma_start3A_236 = tpu.memref_slice %arg4[%add3A_227, %dma_start3A_235] : memref<106496x128xf32, #tpu.memory_space<hbm>> -> memref<208x128xf32, #tpu.memory_space<hbm>>
    %dma_start3A_237 = arith.constant 0 : i32
    %dma_start3A_238 = arith.constant 0 : i32
    %dma_start3A_239 = tpu.memref_slice %arg6[%dma_start3A_228, %dma_start3A_237, %dma_start3A_238] : memref<4x208x128xf32, #tpu.memory_space<vmem>> -> memref<1x208x128xf32, #tpu.memory_space<vmem>>
    %dma_start3A_240 = tpu.memref_squeeze %dma_start3A_239 : memref<1x208x128xf32, #tpu.memory_space<vmem>> -> memref<208x128xf32, #tpu.memory_space<vmem>>
    tpu.enqueue_dma source(%dma_start3A_240 : memref<208x128xf32, #tpu.memory_space<vmem>>) target(%dma_start3A_236 : memref<208x128xf32, #tpu.memory_space<hbm>>) target_semaphore(%arg11 : memref<!tpu.dma_semaphore, #tpu.memory_space<semaphore_mem>>)
    %add3A_241 = arith.constant 624 : i32
    %add3A_242 = arith.addi %mul3A_2, %add3A_241 : i32
    %dma_wait3A_243 = arith.constant 3 : i32
    %dma_wait3A_244 = arith.constant 0 : i32
    %dma_wait3A_245 = arith.constant 0 : i32
    %dma_wait3A_246 = tpu.memref_slice %arg6[%dma_wait3A_243, %dma_wait3A_244, %dma_wait3A_245] : memref<4x208x128xf32, #tpu.memory_space<vmem>> -> memref<1x208x128xf32, #tpu.memory_space<vmem>>
    %dma_wait3A_247 = tpu.memref_squeeze %dma_wait3A_246 : memref<1x208x128xf32, #tpu.memory_space<vmem>> -> memref<208x128xf32, #tpu.memory_space<vmem>>
    %dma_wait3A_248 = arith.constant 0 : i32
    %dma_wait3A_249 = tpu.memref_slice %arg4[%add3A_242, %dma_wait3A_248] : memref<106496x128xf32, #tpu.memory_space<hbm>> -> memref<208x128xf32, #tpu.memory_space<hbm>>
    %dma_wait3A_250 = arith.constant 0 : i32
    %dma_wait3A_251 = tpu.memref_slice %arg4[%add3A_242, %dma_wait3A_250] : memref<106496x128xf32, #tpu.memory_space<hbm>> -> memref<208x128xf32, #tpu.memory_space<hbm>>
    %dma_wait3A_252 = arith.constant 0 : i32
    %dma_wait3A_253 = arith.constant 0 : i32
    %dma_wait3A_254 = tpu.memref_slice %arg6[%dma_wait3A_243, %dma_wait3A_252, %dma_wait3A_253] : memref<4x208x128xf32, #tpu.memory_space<vmem>> -> memref<1x208x128xf32, #tpu.memory_space<vmem>>
    %dma_wait3A_255 = tpu.memref_squeeze %dma_wait3A_254 : memref<1x208x128xf32, #tpu.memory_space<vmem>> -> memref<208x128xf32, #tpu.memory_space<vmem>>
    tpu.wait_dma2 semaphore(%arg14 : memref<!tpu.dma_semaphore, #tpu.memory_space<semaphore_mem>>) src(%dma_wait3A_255 : memref<208x128xf32, #tpu.memory_space<vmem>>) dst(%dma_wait3A_251 : memref<208x128xf32, #tpu.memory_space<hbm>>)
    %dma_start3A_256 = arith.constant 3 : i32
    %dma_start3A_257 = arith.constant 0 : i32
    %dma_start3A_258 = arith.constant 0 : i32
    %dma_start3A_259 = tpu.memref_slice %arg6[%dma_start3A_256, %dma_start3A_257, %dma_start3A_258] : memref<4x208x128xf32, #tpu.memory_space<vmem>> -> memref<1x208x128xf32, #tpu.memory_space<vmem>>
    %dma_start3A_260 = tpu.memref_squeeze %dma_start3A_259 : memref<1x208x128xf32, #tpu.memory_space<vmem>> -> memref<208x128xf32, #tpu.memory_space<vmem>>
    %dma_start3A_261 = arith.constant 1456 : i32
    %dma_start3A_262 = tpu.memref_slice %arg5[%dma_start3A_261] : memref<3328xi32, #tpu.memory_space<vmem>> -> memref<208xi32, #tpu.memory_space<vmem>>
    %dma_start3A_263 = arith.constant 0 : i32
    %dma_start3A_264 = arith.constant 0 : i32
    %dma_start3A_265 = tpu.memref_slice %arg2[%dma_start3A_263, %dma_start3A_264] : memref<100000x128xf32, #tpu.memory_space<hbm>> -> memref<100000x128xf32, #tpu.memory_space<hbm>>
    tpu.enqueue_indirect_dma source(%dma_start3A_265 : memref<100000x128xf32, #tpu.memory_space<hbm>>) target(%dma_start3A_260 : memref<208x128xf32, #tpu.memory_space<vmem>>) offsets(%dma_start3A_262 : memref<208xi32, #tpu.memory_space<vmem>>) semaphore(%arg10 : memref<!tpu.dma_semaphore, #tpu.memory_space<semaphore_mem>>)
    %dma_wait3A_266 = arith.constant 1 : i32
    %dma_wait3A_267 = arith.constant 0 : i32
    %dma_wait3A_268 = arith.constant 0 : i32
    %dma_wait3A_269 = tpu.memref_slice %arg6[%dma_wait3A_266, %dma_wait3A_267, %dma_wait3A_268] : memref<4x208x128xf32, #tpu.memory_space<vmem>> -> memref<1x208x128xf32, #tpu.memory_space<vmem>>
    %dma_wait3A_270 = tpu.memref_squeeze %dma_wait3A_269 : memref<1x208x128xf32, #tpu.memory_space<vmem>> -> memref<208x128xf32, #tpu.memory_space<vmem>>
    %dma_wait3A_271 = arith.constant 1040 : i32
    %dma_wait3A_272 = tpu.memref_slice %arg5[%dma_wait3A_271] : memref<3328xi32, #tpu.memory_space<vmem>> -> memref<208xi32, #tpu.memory_space<vmem>>
    %dma_wait3A_273 = arith.constant 0 : i32
    %dma_wait3A_274 = arith.constant 0 : i32
    %dma_wait3A_275 = tpu.memref_slice %arg2[%dma_wait3A_273, %dma_wait3A_274] : memref<100000x128xf32, #tpu.memory_space<hbm>> -> memref<100000x128xf32, #tpu.memory_space<hbm>>
    tpu.wait_indirect_dma semaphore(%arg8 : memref<!tpu.dma_semaphore, #tpu.memory_space<semaphore_mem>>) src(%dma_wait3A_275 : memref<100000x128xf32, #tpu.memory_space<hbm>>) dst(%dma_wait3A_270 : memref<208x128xf32, #tpu.memory_space<vmem>>)
    %add3A_276 = arith.constant 1040 : i32
    %add3A_277 = arith.addi %mul3A_2, %add3A_276 : i32
    %dma_start3A_278 = arith.constant 1 : i32
    %dma_start3A_279 = arith.constant 0 : i32
    %dma_start3A_280 = arith.constant 0 : i32
    %dma_start3A_281 = tpu.memref_slice %arg6[%dma_start3A_278, %dma_start3A_279, %dma_start3A_280] : memref<4x208x128xf32, #tpu.memory_space<vmem>> -> memref<1x208x128xf32, #tpu.memory_space<vmem>>
    %dma_start3A_282 = tpu.memref_squeeze %dma_start3A_281 : memref<1x208x128xf32, #tpu.memory_space<vmem>> -> memref<208x128xf32, #tpu.memory_space<vmem>>
    %dma_start3A_283 = arith.constant 0 : i32
    %dma_start3A_284 = tpu.memref_slice %arg4[%add3A_277, %dma_start3A_283] : memref<106496x128xf32, #tpu.memory_space<hbm>> -> memref<208x128xf32, #tpu.memory_space<hbm>>
    %dma_start3A_285 = arith.constant 0 : i32
    %dma_start3A_286 = tpu.memref_slice %arg4[%add3A_277, %dma_start3A_285] : memref<106496x128xf32, #tpu.memory_space<hbm>> -> memref<208x128xf32, #tpu.memory_space<hbm>>
    %dma_start3A_287 = arith.constant 0 : i32
    %dma_start3A_288 = arith.constant 0 : i32
    %dma_start3A_289 = tpu.memref_slice %arg6[%dma_start3A_278, %dma_start3A_287, %dma_start3A_288] : memref<4x208x128xf32, #tpu.memory_space<vmem>> -> memref<1x208x128xf32, #tpu.memory_space<vmem>>
    %dma_start3A_290 = tpu.memref_squeeze %dma_start3A_289 : memref<1x208x128xf32, #tpu.memory_space<vmem>> -> memref<208x128xf32, #tpu.memory_space<vmem>>
    tpu.enqueue_dma source(%dma_start3A_290 : memref<208x128xf32, #tpu.memory_space<vmem>>) target(%dma_start3A_286 : memref<208x128xf32, #tpu.memory_space<hbm>>) target_semaphore(%arg12 : memref<!tpu.dma_semaphore, #tpu.memory_space<semaphore_mem>>)
    %add3A_291 = arith.constant 832 : i32
    %add3A_292 = arith.addi %mul3A_2, %add3A_291 : i32
    %dma_wait3A_293 = arith.constant 0 : i32
    %dma_wait3A_294 = arith.constant 0 : i32
    %dma_wait3A_295 = arith.constant 0 : i32
    %dma_wait3A_296 = tpu.memref_slice %arg6[%dma_wait3A_293, %dma_wait3A_294, %dma_wait3A_295] : memref<4x208x128xf32, #tpu.memory_space<vmem>> -> memref<1x208x128xf32, #tpu.memory_space<vmem>>
    %dma_wait3A_297 = tpu.memref_squeeze %dma_wait3A_296 : memref<1x208x128xf32, #tpu.memory_space<vmem>> -> memref<208x128xf32, #tpu.memory_space<vmem>>
    %dma_wait3A_298 = arith.constant 0 : i32
    %dma_wait3A_299 = tpu.memref_slice %arg4[%add3A_292, %dma_wait3A_298] : memref<106496x128xf32, #tpu.memory_space<hbm>> -> memref<208x128xf32, #tpu.memory_space<hbm>>
    %dma_wait3A_300 = arith.constant 0 : i32
    %dma_wait3A_301 = tpu.memref_slice %arg4[%add3A_292, %dma_wait3A_300] : memref<106496x128xf32, #tpu.memory_space<hbm>> -> memref<208x128xf32, #tpu.memory_space<hbm>>
    %dma_wait3A_302 = arith.constant 0 : i32
    %dma_wait3A_303 = arith.constant 0 : i32
    %dma_wait3A_304 = tpu.memref_slice %arg6[%dma_wait3A_293, %dma_wait3A_302, %dma_wait3A_303] : memref<4x208x128xf32, #tpu.memory_space<vmem>> -> memref<1x208x128xf32, #tpu.memory_space<vmem>>
    %dma_wait3A_305 = tpu.memref_squeeze %dma_wait3A_304 : memref<1x208x128xf32, #tpu.memory_space<vmem>> -> memref<208x128xf32, #tpu.memory_space<vmem>>
    tpu.wait_dma2 semaphore(%arg11 : memref<!tpu.dma_semaphore, #tpu.memory_space<semaphore_mem>>) src(%dma_wait3A_305 : memref<208x128xf32, #tpu.memory_space<vmem>>) dst(%dma_wait3A_301 : memref<208x128xf32, #tpu.memory_space<hbm>>)
    %dma_start3A_306 = arith.constant 0 : i32
    %dma_start3A_307 = arith.constant 0 : i32
    %dma_start3A_308 = arith.constant 0 : i32
    %dma_start3A_309 = tpu.memref_slice %arg6[%dma_start3A_306, %dma_start3A_307, %dma_start3A_308] : memref<4x208x128xf32, #tpu.memory_space<vmem>> -> memref<1x208x128xf32, #tpu.memory_space<vmem>>
    %dma_start3A_310 = tpu.memref_squeeze %dma_start3A_309 : memref<1x208x128xf32, #tpu.memory_space<vmem>> -> memref<208x128xf32, #tpu.memory_space<vmem>>
    %dma_start3A_311 = arith.constant 1664 : i32
    %dma_start3A_312 = tpu.memref_slice %arg5[%dma_start3A_311] : memref<3328xi32, #tpu.memory_space<vmem>> -> memref<208xi32, #tpu.memory_space<vmem>>
    %dma_start3A_313 = arith.constant 0 : i32
    %dma_start3A_314 = arith.constant 0 : i32
    %dma_start3A_315 = tpu.memref_slice %arg2[%dma_start3A_313, %dma_start3A_314] : memref<100000x128xf32, #tpu.memory_space<hbm>> -> memref<100000x128xf32, #tpu.memory_space<hbm>>
    tpu.enqueue_indirect_dma source(%dma_start3A_315 : memref<100000x128xf32, #tpu.memory_space<hbm>>) target(%dma_start3A_310 : memref<208x128xf32, #tpu.memory_space<vmem>>) offsets(%dma_start3A_312 : memref<208xi32, #tpu.memory_space<vmem>>) semaphore(%arg7 : memref<!tpu.dma_semaphore, #tpu.memory_space<semaphore_mem>>)
    %dma_wait3A_316 = arith.constant 2 : i32
    %dma_wait3A_317 = arith.constant 0 : i32
    %dma_wait3A_318 = arith.constant 0 : i32
    %dma_wait3A_319 = tpu.memref_slice %arg6[%dma_wait3A_316, %dma_wait3A_317, %dma_wait3A_318] : memref<4x208x128xf32, #tpu.memory_space<vmem>> -> memref<1x208x128xf32, #tpu.memory_space<vmem>>
    %dma_wait3A_320 = tpu.memref_squeeze %dma_wait3A_319 : memref<1x208x128xf32, #tpu.memory_space<vmem>> -> memref<208x128xf32, #tpu.memory_space<vmem>>
    %dma_wait3A_321 = arith.constant 1248 : i32
    %dma_wait3A_322 = tpu.memref_slice %arg5[%dma_wait3A_321] : memref<3328xi32, #tpu.memory_space<vmem>> -> memref<208xi32, #tpu.memory_space<vmem>>
    %dma_wait3A_323 = arith.constant 0 : i32
    %dma_wait3A_324 = arith.constant 0 : i32
    %dma_wait3A_325 = tpu.memref_slice %arg2[%dma_wait3A_323, %dma_wait3A_324] : memref<100000x128xf32, #tpu.memory_space<hbm>> -> memref<100000x128xf32, #tpu.memory_space<hbm>>
    tpu.wait_indirect_dma semaphore(%arg9 : memref<!tpu.dma_semaphore, #tpu.memory_space<semaphore_mem>>) src(%dma_wait3A_325 : memref<100000x128xf32, #tpu.memory_space<hbm>>) dst(%dma_wait3A_320 : memref<208x128xf32, #tpu.memory_space<vmem>>)
    %add3A_326 = arith.constant 1248 : i32
    %add3A_327 = arith.addi %mul3A_2, %add3A_326 : i32
    %dma_start3A_328 = arith.constant 2 : i32
    %dma_start3A_329 = arith.constant 0 : i32
    %dma_start3A_330 = arith.constant 0 : i32
    %dma_start3A_331 = tpu.memref_slice %arg6[%dma_start3A_328, %dma_start3A_329, %dma_start3A_330] : memref<4x208x128xf32, #tpu.memory_space<vmem>> -> memref<1x208x128xf32, #tpu.memory_space<vmem>>
    %dma_start3A_332 = tpu.memref_squeeze %dma_start3A_331 : memref<1x208x128xf32, #tpu.memory_space<vmem>> -> memref<208x128xf32, #tpu.memory_space<vmem>>
    %dma_start3A_333 = arith.constant 0 : i32
    %dma_start3A_334 = tpu.memref_slice %arg4[%add3A_327, %dma_start3A_333] : memref<106496x128xf32, #tpu.memory_space<hbm>> -> memref<208x128xf32, #tpu.memory_space<hbm>>
    %dma_start3A_335 = arith.constant 0 : i32
    %dma_start3A_336 = tpu.memref_slice %arg4[%add3A_327, %dma_start3A_335] : memref<106496x128xf32, #tpu.memory_space<hbm>> -> memref<208x128xf32, #tpu.memory_space<hbm>>
    %dma_start3A_337 = arith.constant 0 : i32
    %dma_start3A_338 = arith.constant 0 : i32
    %dma_start3A_339 = tpu.memref_slice %arg6[%dma_start3A_328, %dma_start3A_337, %dma_start3A_338] : memref<4x208x128xf32, #tpu.memory_space<vmem>> -> memref<1x208x128xf32, #tpu.memory_space<vmem>>
    %dma_start3A_340 = tpu.memref_squeeze %dma_start3A_339 : memref<1x208x128xf32, #tpu.memory_space<vmem>> -> memref<208x128xf32, #tpu.memory_space<vmem>>
    tpu.enqueue_dma source(%dma_start3A_340 : memref<208x128xf32, #tpu.memory_space<vmem>>) target(%dma_start3A_336 : memref<208x128xf32, #tpu.memory_space<hbm>>) target_semaphore(%arg13 : memref<!tpu.dma_semaphore, #tpu.memory_space<semaphore_mem>>)
    %add3A_341 = arith.constant 1040 : i32
    %add3A_342 = arith.addi %mul3A_2, %add3A_341 : i32
    %dma_wait3A_343 = arith.constant 1 : i32
    %dma_wait3A_344 = arith.constant 0 : i32
    %dma_wait3A_345 = arith.constant 0 : i32
    %dma_wait3A_346 = tpu.memref_slice %arg6[%dma_wait3A_343, %dma_wait3A_344, %dma_wait3A_345] : memref<4x208x128xf32, #tpu.memory_space<vmem>> -> memref<1x208x128xf32, #tpu.memory_space<vmem>>
    %dma_wait3A_347 = tpu.memref_squeeze %dma_wait3A_346 : memref<1x208x128xf32, #tpu.memory_space<vmem>> -> memref<208x128xf32, #tpu.memory_space<vmem>>
    %dma_wait3A_348 = arith.constant 0 : i32
    %dma_wait3A_349 = tpu.memref_slice %arg4[%add3A_342, %dma_wait3A_348] : memref<106496x128xf32, #tpu.memory_space<hbm>> -> memref<208x128xf32, #tpu.memory_space<hbm>>
    %dma_wait3A_350 = arith.constant 0 : i32
    %dma_wait3A_351 = tpu.memref_slice %arg4[%add3A_342, %dma_wait3A_350] : memref<106496x128xf32, #tpu.memory_space<hbm>> -> memref<208x128xf32, #tpu.memory_space<hbm>>
    %dma_wait3A_352 = arith.constant 0 : i32
    %dma_wait3A_353 = arith.constant 0 : i32
    %dma_wait3A_354 = tpu.memref_slice %arg6[%dma_wait3A_343, %dma_wait3A_352, %dma_wait3A_353] : memref<4x208x128xf32, #tpu.memory_space<vmem>> -> memref<1x208x128xf32, #tpu.memory_space<vmem>>
    %dma_wait3A_355 = tpu.memref_squeeze %dma_wait3A_354 : memref<1x208x128xf32, #tpu.memory_space<vmem>> -> memref<208x128xf32, #tpu.memory_space<vmem>>
    tpu.wait_dma2 semaphore(%arg12 : memref<!tpu.dma_semaphore, #tpu.memory_space<semaphore_mem>>) src(%dma_wait3A_355 : memref<208x128xf32, #tpu.memory_space<vmem>>) dst(%dma_wait3A_351 : memref<208x128xf32, #tpu.memory_space<hbm>>)
    %dma_start3A_356 = arith.constant 1 : i32
    %dma_start3A_357 = arith.constant 0 : i32
    %dma_start3A_358 = arith.constant 0 : i32
    %dma_start3A_359 = tpu.memref_slice %arg6[%dma_start3A_356, %dma_start3A_357, %dma_start3A_358] : memref<4x208x128xf32, #tpu.memory_space<vmem>> -> memref<1x208x128xf32, #tpu.memory_space<vmem>>
    %dma_start3A_360 = tpu.memref_squeeze %dma_start3A_359 : memref<1x208x128xf32, #tpu.memory_space<vmem>> -> memref<208x128xf32, #tpu.memory_space<vmem>>
    %dma_start3A_361 = arith.constant 1872 : i32
    %dma_start3A_362 = tpu.memref_slice %arg5[%dma_start3A_361] : memref<3328xi32, #tpu.memory_space<vmem>> -> memref<208xi32, #tpu.memory_space<vmem>>
    %dma_start3A_363 = arith.constant 0 : i32
    %dma_start3A_364 = arith.constant 0 : i32
    %dma_start3A_365 = tpu.memref_slice %arg2[%dma_start3A_363, %dma_start3A_364] : memref<100000x128xf32, #tpu.memory_space<hbm>> -> memref<100000x128xf32, #tpu.memory_space<hbm>>
    tpu.enqueue_indirect_dma source(%dma_start3A_365 : memref<100000x128xf32, #tpu.memory_space<hbm>>) target(%dma_start3A_360 : memref<208x128xf32, #tpu.memory_space<vmem>>) offsets(%dma_start3A_362 : memref<208xi32, #tpu.memory_space<vmem>>) semaphore(%arg8 : memref<!tpu.dma_semaphore, #tpu.memory_space<semaphore_mem>>)
    %dma_wait3A_366 = arith.constant 3 : i32
    %dma_wait3A_367 = arith.constant 0 : i32
    %dma_wait3A_368 = arith.constant 0 : i32
    %dma_wait3A_369 = tpu.memref_slice %arg6[%dma_wait3A_366, %dma_wait3A_367, %dma_wait3A_368] : memref<4x208x128xf32, #tpu.memory_space<vmem>> -> memref<1x208x128xf32, #tpu.memory_space<vmem>>
    %dma_wait3A_370 = tpu.memref_squeeze %dma_wait3A_369 : memref<1x208x128xf32, #tpu.memory_space<vmem>> -> memref<208x128xf32, #tpu.memory_space<vmem>>
    %dma_wait3A_371 = arith.constant 1456 : i32
    %dma_wait3A_372 = tpu.memref_slice %arg5[%dma_wait3A_371] : memref<3328xi32, #tpu.memory_space<vmem>> -> memref<208xi32, #tpu.memory_space<vmem>>
    %dma_wait3A_373 = arith.constant 0 : i32
    %dma_wait3A_374 = arith.constant 0 : i32
    %dma_wait3A_375 = tpu.memref_slice %arg2[%dma_wait3A_373, %dma_wait3A_374] : memref<100000x128xf32, #tpu.memory_space<hbm>> -> memref<100000x128xf32, #tpu.memory_space<hbm>>
    tpu.wait_indirect_dma semaphore(%arg10 : memref<!tpu.dma_semaphore, #tpu.memory_space<semaphore_mem>>) src(%dma_wait3A_375 : memref<100000x128xf32, #tpu.memory_space<hbm>>) dst(%dma_wait3A_370 : memref<208x128xf32, #tpu.memory_space<vmem>>)
    %add3A_376 = arith.constant 1456 : i32
    %add3A_377 = arith.addi %mul3A_2, %add3A_376 : i32
    %dma_start3A_378 = arith.constant 3 : i32
    %dma_start3A_379 = arith.constant 0 : i32
    %dma_start3A_380 = arith.constant 0 : i32
    %dma_start3A_381 = tpu.memref_slice %arg6[%dma_start3A_378, %dma_start3A_379, %dma_start3A_380] : memref<4x208x128xf32, #tpu.memory_space<vmem>> -> memref<1x208x128xf32, #tpu.memory_space<vmem>>
    %dma_start3A_382 = tpu.memref_squeeze %dma_start3A_381 : memref<1x208x128xf32, #tpu.memory_space<vmem>> -> memref<208x128xf32, #tpu.memory_space<vmem>>
    %dma_start3A_383 = arith.constant 0 : i32
    %dma_start3A_384 = tpu.memref_slice %arg4[%add3A_377, %dma_start3A_383] : memref<106496x128xf32, #tpu.memory_space<hbm>> -> memref<208x128xf32, #tpu.memory_space<hbm>>
    %dma_start3A_385 = arith.constant 0 : i32
    %dma_start3A_386 = tpu.memref_slice %arg4[%add3A_377, %dma_start3A_385] : memref<106496x128xf32, #tpu.memory_space<hbm>> -> memref<208x128xf32, #tpu.memory_space<hbm>>
    %dma_start3A_387 = arith.constant 0 : i32
    %dma_start3A_388 = arith.constant 0 : i32
    %dma_start3A_389 = tpu.memref_slice %arg6[%dma_start3A_378, %dma_start3A_387, %dma_start3A_388] : memref<4x208x128xf32, #tpu.memory_space<vmem>> -> memref<1x208x128xf32, #tpu.memory_space<vmem>>
    %dma_start3A_390 = tpu.memref_squeeze %dma_start3A_389 : memref<1x208x128xf32, #tpu.memory_space<vmem>> -> memref<208x128xf32, #tpu.memory_space<vmem>>
    tpu.enqueue_dma source(%dma_start3A_390 : memref<208x128xf32, #tpu.memory_space<vmem>>) target(%dma_start3A_386 : memref<208x128xf32, #tpu.memory_space<hbm>>) target_semaphore(%arg14 : memref<!tpu.dma_semaphore, #tpu.memory_space<semaphore_mem>>)
    %add3A_391 = arith.constant 1248 : i32
    %add3A_392 = arith.addi %mul3A_2, %add3A_391 : i32
    %dma_wait3A_393 = arith.constant 2 : i32
    %dma_wait3A_394 = arith.constant 0 : i32
    %dma_wait3A_395 = arith.constant 0 : i32
    %dma_wait3A_396 = tpu.memref_slice %arg6[%dma_wait3A_393, %dma_wait3A_394, %dma_wait3A_395] : memref<4x208x128xf32, #tpu.memory_space<vmem>> -> memref<1x208x128xf32, #tpu.memory_space<vmem>>
    %dma_wait3A_397 = tpu.memref_squeeze %dma_wait3A_396 : memref<1x208x128xf32, #tpu.memory_space<vmem>> -> memref<208x128xf32, #tpu.memory_space<vmem>>
    %dma_wait3A_398 = arith.constant 0 : i32
    %dma_wait3A_399 = tpu.memref_slice %arg4[%add3A_392, %dma_wait3A_398] : memref<106496x128xf32, #tpu.memory_space<hbm>> -> memref<208x128xf32, #tpu.memory_space<hbm>>
    %dma_wait3A_400 = arith.constant 0 : i32
    %dma_wait3A_401 = tpu.memref_slice %arg4[%add3A_392, %dma_wait3A_400] : memref<106496x128xf32, #tpu.memory_space<hbm>> -> memref<208x128xf32, #tpu.memory_space<hbm>>
    %dma_wait3A_402 = arith.constant 0 : i32
    %dma_wait3A_403 = arith.constant 0 : i32
    %dma_wait3A_404 = tpu.memref_slice %arg6[%dma_wait3A_393, %dma_wait3A_402, %dma_wait3A_403] : memref<4x208x128xf32, #tpu.memory_space<vmem>> -> memref<1x208x128xf32, #tpu.memory_space<vmem>>
    %dma_wait3A_405 = tpu.memref_squeeze %dma_wait3A_404 : memref<1x208x128xf32, #tpu.memory_space<vmem>> -> memref<208x128xf32, #tpu.memory_space<vmem>>
    tpu.wait_dma2 semaphore(%arg13 : memref<!tpu.dma_semaphore, #tpu.memory_space<semaphore_mem>>) src(%dma_wait3A_405 : memref<208x128xf32, #tpu.memory_space<vmem>>) dst(%dma_wait3A_401 : memref<208x128xf32, #tpu.memory_space<hbm>>)
    %dma_start3A_406 = arith.constant 2 : i32
    %dma_start3A_407 = arith.constant 0 : i32
    %dma_start3A_408 = arith.constant 0 : i32
    %dma_start3A_409 = tpu.memref_slice %arg6[%dma_start3A_406, %dma_start3A_407, %dma_start3A_408] : memref<4x208x128xf32, #tpu.memory_space<vmem>> -> memref<1x208x128xf32, #tpu.memory_space<vmem>>
    %dma_start3A_410 = tpu.memref_squeeze %dma_start3A_409 : memref<1x208x128xf32, #tpu.memory_space<vmem>> -> memref<208x128xf32, #tpu.memory_space<vmem>>
    %dma_start3A_411 = arith.constant 2080 : i32
    %dma_start3A_412 = tpu.memref_slice %arg5[%dma_start3A_411] : memref<3328xi32, #tpu.memory_space<vmem>> -> memref<208xi32, #tpu.memory_space<vmem>>
    %dma_start3A_413 = arith.constant 0 : i32
    %dma_start3A_414 = arith.constant 0 : i32
    %dma_start3A_415 = tpu.memref_slice %arg2[%dma_start3A_413, %dma_start3A_414] : memref<100000x128xf32, #tpu.memory_space<hbm>> -> memref<100000x128xf32, #tpu.memory_space<hbm>>
    tpu.enqueue_indirect_dma source(%dma_start3A_415 : memref<100000x128xf32, #tpu.memory_space<hbm>>) target(%dma_start3A_410 : memref<208x128xf32, #tpu.memory_space<vmem>>) offsets(%dma_start3A_412 : memref<208xi32, #tpu.memory_space<vmem>>) semaphore(%arg9 : memref<!tpu.dma_semaphore, #tpu.memory_space<semaphore_mem>>)
    %dma_wait3A_416 = arith.constant 0 : i32
    %dma_wait3A_417 = arith.constant 0 : i32
    %dma_wait3A_418 = arith.constant 0 : i32
    %dma_wait3A_419 = tpu.memref_slice %arg6[%dma_wait3A_416, %dma_wait3A_417, %dma_wait3A_418] : memref<4x208x128xf32, #tpu.memory_space<vmem>> -> memref<1x208x128xf32, #tpu.memory_space<vmem>>
    %dma_wait3A_420 = tpu.memref_squeeze %dma_wait3A_419 : memref<1x208x128xf32, #tpu.memory_space<vmem>> -> memref<208x128xf32, #tpu.memory_space<vmem>>
    %dma_wait3A_421 = arith.constant 1664 : i32
    %dma_wait3A_422 = tpu.memref_slice %arg5[%dma_wait3A_421] : memref<3328xi32, #tpu.memory_space<vmem>> -> memref<208xi32, #tpu.memory_space<vmem>>
    %dma_wait3A_423 = arith.constant 0 : i32
    %dma_wait3A_424 = arith.constant 0 : i32
    %dma_wait3A_425 = tpu.memref_slice %arg2[%dma_wait3A_423, %dma_wait3A_424] : memref<100000x128xf32, #tpu.memory_space<hbm>> -> memref<100000x128xf32, #tpu.memory_space<hbm>>
    tpu.wait_indirect_dma semaphore(%arg7 : memref<!tpu.dma_semaphore, #tpu.memory_space<semaphore_mem>>) src(%dma_wait3A_425 : memref<100000x128xf32, #tpu.memory_space<hbm>>) dst(%dma_wait3A_420 : memref<208x128xf32, #tpu.memory_space<vmem>>)
    %add3A_426 = arith.constant 1664 : i32
    %add3A_427 = arith.addi %mul3A_2, %add3A_426 : i32
    %dma_start3A_428 = arith.constant 0 : i32
    %dma_start3A_429 = arith.constant 0 : i32
    %dma_start3A_430 = arith.constant 0 : i32
    %dma_start3A_431 = tpu.memref_slice %arg6[%dma_start3A_428, %dma_start3A_429, %dma_start3A_430] : memref<4x208x128xf32, #tpu.memory_space<vmem>> -> memref<1x208x128xf32, #tpu.memory_space<vmem>>
    %dma_start3A_432 = tpu.memref_squeeze %dma_start3A_431 : memref<1x208x128xf32, #tpu.memory_space<vmem>> -> memref<208x128xf32, #tpu.memory_space<vmem>>
    %dma_start3A_433 = arith.constant 0 : i32
    %dma_start3A_434 = tpu.memref_slice %arg4[%add3A_427, %dma_start3A_433] : memref<106496x128xf32, #tpu.memory_space<hbm>> -> memref<208x128xf32, #tpu.memory_space<hbm>>
    %dma_start3A_435 = arith.constant 0 : i32
    %dma_start3A_436 = tpu.memref_slice %arg4[%add3A_427, %dma_start3A_435] : memref<106496x128xf32, #tpu.memory_space<hbm>> -> memref<208x128xf32, #tpu.memory_space<hbm>>
    %dma_start3A_437 = arith.constant 0 : i32
    %dma_start3A_438 = arith.constant 0 : i32
    %dma_start3A_439 = tpu.memref_slice %arg6[%dma_start3A_428, %dma_start3A_437, %dma_start3A_438] : memref<4x208x128xf32, #tpu.memory_space<vmem>> -> memref<1x208x128xf32, #tpu.memory_space<vmem>>
    %dma_start3A_440 = tpu.memref_squeeze %dma_start3A_439 : memref<1x208x128xf32, #tpu.memory_space<vmem>> -> memref<208x128xf32, #tpu.memory_space<vmem>>
    tpu.enqueue_dma source(%dma_start3A_440 : memref<208x128xf32, #tpu.memory_space<vmem>>) target(%dma_start3A_436 : memref<208x128xf32, #tpu.memory_space<hbm>>) target_semaphore(%arg11 : memref<!tpu.dma_semaphore, #tpu.memory_space<semaphore_mem>>)
    %add3A_441 = arith.constant 1456 : i32
    %add3A_442 = arith.addi %mul3A_2, %add3A_441 : i32
    %dma_wait3A_443 = arith.constant 3 : i32
    %dma_wait3A_444 = arith.constant 0 : i32
    %dma_wait3A_445 = arith.constant 0 : i32
    %dma_wait3A_446 = tpu.memref_slice %arg6[%dma_wait3A_443, %dma_wait3A_444, %dma_wait3A_445] : memref<4x208x128xf32, #tpu.memory_space<vmem>> -> memref<1x208x128xf32, #tpu.memory_space<vmem>>
    %dma_wait3A_447 = tpu.memref_squeeze %dma_wait3A_446 : memref<1x208x128xf32, #tpu.memory_space<vmem>> -> memref<208x128xf32, #tpu.memory_space<vmem>>
    %dma_wait3A_448 = arith.constant 0 : i32
    %dma_wait3A_449 = tpu.memref_slice %arg4[%add3A_442, %dma_wait3A_448] : memref<106496x128xf32, #tpu.memory_space<hbm>> -> memref<208x128xf32, #tpu.memory_space<hbm>>
    %dma_wait3A_450 = arith.constant 0 : i32
    %dma_wait3A_451 = tpu.memref_slice %arg4[%add3A_442, %dma_wait3A_450] : memref<106496x128xf32, #tpu.memory_space<hbm>> -> memref<208x128xf32, #tpu.memory_space<hbm>>
    %dma_wait3A_452 = arith.constant 0 : i32
    %dma_wait3A_453 = arith.constant 0 : i32
    %dma_wait3A_454 = tpu.memref_slice %arg6[%dma_wait3A_443, %dma_wait3A_452, %dma_wait3A_453] : memref<4x208x128xf32, #tpu.memory_space<vmem>> -> memref<1x208x128xf32, #tpu.memory_space<vmem>>
    %dma_wait3A_455 = tpu.memref_squeeze %dma_wait3A_454 : memref<1x208x128xf32, #tpu.memory_space<vmem>> -> memref<208x128xf32, #tpu.memory_space<vmem>>
    tpu.wait_dma2 semaphore(%arg14 : memref<!tpu.dma_semaphore, #tpu.memory_space<semaphore_mem>>) src(%dma_wait3A_455 : memref<208x128xf32, #tpu.memory_space<vmem>>) dst(%dma_wait3A_451 : memref<208x128xf32, #tpu.memory_space<hbm>>)
    %dma_start3A_456 = arith.constant 3 : i32
    %dma_start3A_457 = arith.constant 0 : i32
    %dma_start3A_458 = arith.constant 0 : i32
    %dma_start3A_459 = tpu.memref_slice %arg6[%dma_start3A_456, %dma_start3A_457, %dma_start3A_458] : memref<4x208x128xf32, #tpu.memory_space<vmem>> -> memref<1x208x128xf32, #tpu.memory_space<vmem>>
    %dma_start3A_460 = tpu.memref_squeeze %dma_start3A_459 : memref<1x208x128xf32, #tpu.memory_space<vmem>> -> memref<208x128xf32, #tpu.memory_space<vmem>>
    %dma_start3A_461 = arith.constant 2288 : i32
    %dma_start3A_462 = tpu.memref_slice %arg5[%dma_start3A_461] : memref<3328xi32, #tpu.memory_space<vmem>> -> memref<208xi32, #tpu.memory_space<vmem>>
    %dma_start3A_463 = arith.constant 0 : i32
    %dma_start3A_464 = arith.constant 0 : i32
    %dma_start3A_465 = tpu.memref_slice %arg2[%dma_start3A_463, %dma_start3A_464] : memref<100000x128xf32, #tpu.memory_space<hbm>> -> memref<100000x128xf32, #tpu.memory_space<hbm>>
    tpu.enqueue_indirect_dma source(%dma_start3A_465 : memref<100000x128xf32, #tpu.memory_space<hbm>>) target(%dma_start3A_460 : memref<208x128xf32, #tpu.memory_space<vmem>>) offsets(%dma_start3A_462 : memref<208xi32, #tpu.memory_space<vmem>>) semaphore(%arg10 : memref<!tpu.dma_semaphore, #tpu.memory_space<semaphore_mem>>)
    %dma_wait3A_466 = arith.constant 1 : i32
    %dma_wait3A_467 = arith.constant 0 : i32
    %dma_wait3A_468 = arith.constant 0 : i32
    %dma_wait3A_469 = tpu.memref_slice %arg6[%dma_wait3A_466, %dma_wait3A_467, %dma_wait3A_468] : memref<4x208x128xf32, #tpu.memory_space<vmem>> -> memref<1x208x128xf32, #tpu.memory_space<vmem>>
    %dma_wait3A_470 = tpu.memref_squeeze %dma_wait3A_469 : memref<1x208x128xf32, #tpu.memory_space<vmem>> -> memref<208x128xf32, #tpu.memory_space<vmem>>
    %dma_wait3A_471 = arith.constant 1872 : i32
    %dma_wait3A_472 = tpu.memref_slice %arg5[%dma_wait3A_471] : memref<3328xi32, #tpu.memory_space<vmem>> -> memref<208xi32, #tpu.memory_space<vmem>>
    %dma_wait3A_473 = arith.constant 0 : i32
    %dma_wait3A_474 = arith.constant 0 : i32
    %dma_wait3A_475 = tpu.memref_slice %arg2[%dma_wait3A_473, %dma_wait3A_474] : memref<100000x128xf32, #tpu.memory_space<hbm>> -> memref<100000x128xf32, #tpu.memory_space<hbm>>
    tpu.wait_indirect_dma semaphore(%arg8 : memref<!tpu.dma_semaphore, #tpu.memory_space<semaphore_mem>>) src(%dma_wait3A_475 : memref<100000x128xf32, #tpu.memory_space<hbm>>) dst(%dma_wait3A_470 : memref<208x128xf32, #tpu.memory_space<vmem>>)
    %add3A_476 = arith.constant 1872 : i32
    %add3A_477 = arith.addi %mul3A_2, %add3A_476 : i32
    %dma_start3A_478 = arith.constant 1 : i32
    %dma_start3A_479 = arith.constant 0 : i32
    %dma_start3A_480 = arith.constant 0 : i32
    %dma_start3A_481 = tpu.memref_slice %arg6[%dma_start3A_478, %dma_start3A_479, %dma_start3A_480] : memref<4x208x128xf32, #tpu.memory_space<vmem>> -> memref<1x208x128xf32, #tpu.memory_space<vmem>>
    %dma_start3A_482 = tpu.memref_squeeze %dma_start3A_481 : memref<1x208x128xf32, #tpu.memory_space<vmem>> -> memref<208x128xf32, #tpu.memory_space<vmem>>
    %dma_start3A_483 = arith.constant 0 : i32
    %dma_start3A_484 = tpu.memref_slice %arg4[%add3A_477, %dma_start3A_483] : memref<106496x128xf32, #tpu.memory_space<hbm>> -> memref<208x128xf32, #tpu.memory_space<hbm>>
    %dma_start3A_485 = arith.constant 0 : i32
    %dma_start3A_486 = tpu.memref_slice %arg4[%add3A_477, %dma_start3A_485] : memref<106496x128xf32, #tpu.memory_space<hbm>> -> memref<208x128xf32, #tpu.memory_space<hbm>>
    %dma_start3A_487 = arith.constant 0 : i32
    %dma_start3A_488 = arith.constant 0 : i32
    %dma_start3A_489 = tpu.memref_slice %arg6[%dma_start3A_478, %dma_start3A_487, %dma_start3A_488] : memref<4x208x128xf32, #tpu.memory_space<vmem>> -> memref<1x208x128xf32, #tpu.memory_space<vmem>>
    %dma_start3A_490 = tpu.memref_squeeze %dma_start3A_489 : memref<1x208x128xf32, #tpu.memory_space<vmem>> -> memref<208x128xf32, #tpu.memory_space<vmem>>
    tpu.enqueue_dma source(%dma_start3A_490 : memref<208x128xf32, #tpu.memory_space<vmem>>) target(%dma_start3A_486 : memref<208x128xf32, #tpu.memory_space<hbm>>) target_semaphore(%arg12 : memref<!tpu.dma_semaphore, #tpu.memory_space<semaphore_mem>>)
    %add3A_491 = arith.constant 1664 : i32
    %add3A_492 = arith.addi %mul3A_2, %add3A_491 : i32
    %dma_wait3A_493 = arith.constant 0 : i32
    %dma_wait3A_494 = arith.constant 0 : i32
    %dma_wait3A_495 = arith.constant 0 : i32
    %dma_wait3A_496 = tpu.memref_slice %arg6[%dma_wait3A_493, %dma_wait3A_494, %dma_wait3A_495] : memref<4x208x128xf32, #tpu.memory_space<vmem>> -> memref<1x208x128xf32, #tpu.memory_space<vmem>>
    %dma_wait3A_497 = tpu.memref_squeeze %dma_wait3A_496 : memref<1x208x128xf32, #tpu.memory_space<vmem>> -> memref<208x128xf32, #tpu.memory_space<vmem>>
    %dma_wait3A_498 = arith.constant 0 : i32
    %dma_wait3A_499 = tpu.memref_slice %arg4[%add3A_492, %dma_wait3A_498] : memref<106496x128xf32, #tpu.memory_space<hbm>> -> memref<208x128xf32, #tpu.memory_space<hbm>>
    %dma_wait3A_500 = arith.constant 0 : i32
    %dma_wait3A_501 = tpu.memref_slice %arg4[%add3A_492, %dma_wait3A_500] : memref<106496x128xf32, #tpu.memory_space<hbm>> -> memref<208x128xf32, #tpu.memory_space<hbm>>
    %dma_wait3A_502 = arith.constant 0 : i32
    %dma_wait3A_503 = arith.constant 0 : i32
    %dma_wait3A_504 = tpu.memref_slice %arg6[%dma_wait3A_493, %dma_wait3A_502, %dma_wait3A_503] : memref<4x208x128xf32, #tpu.memory_space<vmem>> -> memref<1x208x128xf32, #tpu.memory_space<vmem>>
    %dma_wait3A_505 = tpu.memref_squeeze %dma_wait3A_504 : memref<1x208x128xf32, #tpu.memory_space<vmem>> -> memref<208x128xf32, #tpu.memory_space<vmem>>
    tpu.wait_dma2 semaphore(%arg11 : memref<!tpu.dma_semaphore, #tpu.memory_space<semaphore_mem>>) src(%dma_wait3A_505 : memref<208x128xf32, #tpu.memory_space<vmem>>) dst(%dma_wait3A_501 : memref<208x128xf32, #tpu.memory_space<hbm>>)
    %dma_start3A_506 = arith.constant 0 : i32
    %dma_start3A_507 = arith.constant 0 : i32
    %dma_start3A_508 = arith.constant 0 : i32
    %dma_start3A_509 = tpu.memref_slice %arg6[%dma_start3A_506, %dma_start3A_507, %dma_start3A_508] : memref<4x208x128xf32, #tpu.memory_space<vmem>> -> memref<1x208x128xf32, #tpu.memory_space<vmem>>
    %dma_start3A_510 = tpu.memref_squeeze %dma_start3A_509 : memref<1x208x128xf32, #tpu.memory_space<vmem>> -> memref<208x128xf32, #tpu.memory_space<vmem>>
    %dma_start3A_511 = arith.constant 2496 : i32
    %dma_start3A_512 = tpu.memref_slice %arg5[%dma_start3A_511] : memref<3328xi32, #tpu.memory_space<vmem>> -> memref<208xi32, #tpu.memory_space<vmem>>
    %dma_start3A_513 = arith.constant 0 : i32
    %dma_start3A_514 = arith.constant 0 : i32
    %dma_start3A_515 = tpu.memref_slice %arg2[%dma_start3A_513, %dma_start3A_514] : memref<100000x128xf32, #tpu.memory_space<hbm>> -> memref<100000x128xf32, #tpu.memory_space<hbm>>
    tpu.enqueue_indirect_dma source(%dma_start3A_515 : memref<100000x128xf32, #tpu.memory_space<hbm>>) target(%dma_start3A_510 : memref<208x128xf32, #tpu.memory_space<vmem>>) offsets(%dma_start3A_512 : memref<208xi32, #tpu.memory_space<vmem>>) semaphore(%arg7 : memref<!tpu.dma_semaphore, #tpu.memory_space<semaphore_mem>>)
    %dma_wait3A_516 = arith.constant 2 : i32
    %dma_wait3A_517 = arith.constant 0 : i32
    %dma_wait3A_518 = arith.constant 0 : i32
    %dma_wait3A_519 = tpu.memref_slice %arg6[%dma_wait3A_516, %dma_wait3A_517, %dma_wait3A_518] : memref<4x208x128xf32, #tpu.memory_space<vmem>> -> memref<1x208x128xf32, #tpu.memory_space<vmem>>
    %dma_wait3A_520 = tpu.memref_squeeze %dma_wait3A_519 : memref<1x208x128xf32, #tpu.memory_space<vmem>> -> memref<208x128xf32, #tpu.memory_space<vmem>>
    %dma_wait3A_521 = arith.constant 2080 : i32
    %dma_wait3A_522 = tpu.memref_slice %arg5[%dma_wait3A_521] : memref<3328xi32, #tpu.memory_space<vmem>> -> memref<208xi32, #tpu.memory_space<vmem>>
    %dma_wait3A_523 = arith.constant 0 : i32
    %dma_wait3A_524 = arith.constant 0 : i32
    %dma_wait3A_525 = tpu.memref_slice %arg2[%dma_wait3A_523, %dma_wait3A_524] : memref<100000x128xf32, #tpu.memory_space<hbm>> -> memref<100000x128xf32, #tpu.memory_space<hbm>>
    tpu.wait_indirect_dma semaphore(%arg9 : memref<!tpu.dma_semaphore, #tpu.memory_space<semaphore_mem>>) src(%dma_wait3A_525 : memref<100000x128xf32, #tpu.memory_space<hbm>>) dst(%dma_wait3A_520 : memref<208x128xf32, #tpu.memory_space<vmem>>)
    %add3A_526 = arith.constant 2080 : i32
    %add3A_527 = arith.addi %mul3A_2, %add3A_526 : i32
    %dma_start3A_528 = arith.constant 2 : i32
    %dma_start3A_529 = arith.constant 0 : i32
    %dma_start3A_530 = arith.constant 0 : i32
    %dma_start3A_531 = tpu.memref_slice %arg6[%dma_start3A_528, %dma_start3A_529, %dma_start3A_530] : memref<4x208x128xf32, #tpu.memory_space<vmem>> -> memref<1x208x128xf32, #tpu.memory_space<vmem>>
    %dma_start3A_532 = tpu.memref_squeeze %dma_start3A_531 : memref<1x208x128xf32, #tpu.memory_space<vmem>> -> memref<208x128xf32, #tpu.memory_space<vmem>>
    %dma_start3A_533 = arith.constant 0 : i32
    %dma_start3A_534 = tpu.memref_slice %arg4[%add3A_527, %dma_start3A_533] : memref<106496x128xf32, #tpu.memory_space<hbm>> -> memref<208x128xf32, #tpu.memory_space<hbm>>
    %dma_start3A_535 = arith.constant 0 : i32
    %dma_start3A_536 = tpu.memref_slice %arg4[%add3A_527, %dma_start3A_535] : memref<106496x128xf32, #tpu.memory_space<hbm>> -> memref<208x128xf32, #tpu.memory_space<hbm>>
    %dma_start3A_537 = arith.constant 0 : i32
    %dma_start3A_538 = arith.constant 0 : i32
    %dma_start3A_539 = tpu.memref_slice %arg6[%dma_start3A_528, %dma_start3A_537, %dma_start3A_538] : memref<4x208x128xf32, #tpu.memory_space<vmem>> -> memref<1x208x128xf32, #tpu.memory_space<vmem>>
    %dma_start3A_540 = tpu.memref_squeeze %dma_start3A_539 : memref<1x208x128xf32, #tpu.memory_space<vmem>> -> memref<208x128xf32, #tpu.memory_space<vmem>>
    tpu.enqueue_dma source(%dma_start3A_540 : memref<208x128xf32, #tpu.memory_space<vmem>>) target(%dma_start3A_536 : memref<208x128xf32, #tpu.memory_space<hbm>>) target_semaphore(%arg13 : memref<!tpu.dma_semaphore, #tpu.memory_space<semaphore_mem>>)
    %add3A_541 = arith.constant 1872 : i32
    %add3A_542 = arith.addi %mul3A_2, %add3A_541 : i32
    %dma_wait3A_543 = arith.constant 1 : i32
    %dma_wait3A_544 = arith.constant 0 : i32
    %dma_wait3A_545 = arith.constant 0 : i32
    %dma_wait3A_546 = tpu.memref_slice %arg6[%dma_wait3A_543, %dma_wait3A_544, %dma_wait3A_545] : memref<4x208x128xf32, #tpu.memory_space<vmem>> -> memref<1x208x128xf32, #tpu.memory_space<vmem>>
    %dma_wait3A_547 = tpu.memref_squeeze %dma_wait3A_546 : memref<1x208x128xf32, #tpu.memory_space<vmem>> -> memref<208x128xf32, #tpu.memory_space<vmem>>
    %dma_wait3A_548 = arith.constant 0 : i32
    %dma_wait3A_549 = tpu.memref_slice %arg4[%add3A_542, %dma_wait3A_548] : memref<106496x128xf32, #tpu.memory_space<hbm>> -> memref<208x128xf32, #tpu.memory_space<hbm>>
    %dma_wait3A_550 = arith.constant 0 : i32
    %dma_wait3A_551 = tpu.memref_slice %arg4[%add3A_542, %dma_wait3A_550] : memref<106496x128xf32, #tpu.memory_space<hbm>> -> memref<208x128xf32, #tpu.memory_space<hbm>>
    %dma_wait3A_552 = arith.constant 0 : i32
    %dma_wait3A_553 = arith.constant 0 : i32
    %dma_wait3A_554 = tpu.memref_slice %arg6[%dma_wait3A_543, %dma_wait3A_552, %dma_wait3A_553] : memref<4x208x128xf32, #tpu.memory_space<vmem>> -> memref<1x208x128xf32, #tpu.memory_space<vmem>>
    %dma_wait3A_555 = tpu.memref_squeeze %dma_wait3A_554 : memref<1x208x128xf32, #tpu.memory_space<vmem>> -> memref<208x128xf32, #tpu.memory_space<vmem>>
    tpu.wait_dma2 semaphore(%arg12 : memref<!tpu.dma_semaphore, #tpu.memory_space<semaphore_mem>>) src(%dma_wait3A_555 : memref<208x128xf32, #tpu.memory_space<vmem>>) dst(%dma_wait3A_551 : memref<208x128xf32, #tpu.memory_space<hbm>>)
    %dma_start3A_556 = arith.constant 1 : i32
    %dma_start3A_557 = arith.constant 0 : i32
    %dma_start3A_558 = arith.constant 0 : i32
    %dma_start3A_559 = tpu.memref_slice %arg6[%dma_start3A_556, %dma_start3A_557, %dma_start3A_558] : memref<4x208x128xf32, #tpu.memory_space<vmem>> -> memref<1x208x128xf32, #tpu.memory_space<vmem>>
    %dma_start3A_560 = tpu.memref_squeeze %dma_start3A_559 : memref<1x208x128xf32, #tpu.memory_space<vmem>> -> memref<208x128xf32, #tpu.memory_space<vmem>>
    %dma_start3A_561 = arith.constant 2704 : i32
    %dma_start3A_562 = tpu.memref_slice %arg5[%dma_start3A_561] : memref<3328xi32, #tpu.memory_space<vmem>> -> memref<208xi32, #tpu.memory_space<vmem>>
    %dma_start3A_563 = arith.constant 0 : i32
    %dma_start3A_564 = arith.constant 0 : i32
    %dma_start3A_565 = tpu.memref_slice %arg2[%dma_start3A_563, %dma_start3A_564] : memref<100000x128xf32, #tpu.memory_space<hbm>> -> memref<100000x128xf32, #tpu.memory_space<hbm>>
    tpu.enqueue_indirect_dma source(%dma_start3A_565 : memref<100000x128xf32, #tpu.memory_space<hbm>>) target(%dma_start3A_560 : memref<208x128xf32, #tpu.memory_space<vmem>>) offsets(%dma_start3A_562 : memref<208xi32, #tpu.memory_space<vmem>>) semaphore(%arg8 : memref<!tpu.dma_semaphore, #tpu.memory_space<semaphore_mem>>)
    %dma_wait3A_566 = arith.constant 3 : i32
    %dma_wait3A_567 = arith.constant 0 : i32
    %dma_wait3A_568 = arith.constant 0 : i32
    %dma_wait3A_569 = tpu.memref_slice %arg6[%dma_wait3A_566, %dma_wait3A_567, %dma_wait3A_568] : memref<4x208x128xf32, #tpu.memory_space<vmem>> -> memref<1x208x128xf32, #tpu.memory_space<vmem>>
    %dma_wait3A_570 = tpu.memref_squeeze %dma_wait3A_569 : memref<1x208x128xf32, #tpu.memory_space<vmem>> -> memref<208x128xf32, #tpu.memory_space<vmem>>
    %dma_wait3A_571 = arith.constant 2288 : i32
    %dma_wait3A_572 = tpu.memref_slice %arg5[%dma_wait3A_571] : memref<3328xi32, #tpu.memory_space<vmem>> -> memref<208xi32, #tpu.memory_space<vmem>>
    %dma_wait3A_573 = arith.constant 0 : i32
    %dma_wait3A_574 = arith.constant 0 : i32
    %dma_wait3A_575 = tpu.memref_slice %arg2[%dma_wait3A_573, %dma_wait3A_574] : memref<100000x128xf32, #tpu.memory_space<hbm>> -> memref<100000x128xf32, #tpu.memory_space<hbm>>
    tpu.wait_indirect_dma semaphore(%arg10 : memref<!tpu.dma_semaphore, #tpu.memory_space<semaphore_mem>>) src(%dma_wait3A_575 : memref<100000x128xf32, #tpu.memory_space<hbm>>) dst(%dma_wait3A_570 : memref<208x128xf32, #tpu.memory_space<vmem>>)
    %add3A_576 = arith.constant 2288 : i32
    %add3A_577 = arith.addi %mul3A_2, %add3A_576 : i32
    %dma_start3A_578 = arith.constant 3 : i32
    %dma_start3A_579 = arith.constant 0 : i32
    %dma_start3A_580 = arith.constant 0 : i32
    %dma_start3A_581 = tpu.memref_slice %arg6[%dma_start3A_578, %dma_start3A_579, %dma_start3A_580] : memref<4x208x128xf32, #tpu.memory_space<vmem>> -> memref<1x208x128xf32, #tpu.memory_space<vmem>>
    %dma_start3A_582 = tpu.memref_squeeze %dma_start3A_581 : memref<1x208x128xf32, #tpu.memory_space<vmem>> -> memref<208x128xf32, #tpu.memory_space<vmem>>
    %dma_start3A_583 = arith.constant 0 : i32
    %dma_start3A_584 = tpu.memref_slice %arg4[%add3A_577, %dma_start3A_583] : memref<106496x128xf32, #tpu.memory_space<hbm>> -> memref<208x128xf32, #tpu.memory_space<hbm>>
    %dma_start3A_585 = arith.constant 0 : i32
    %dma_start3A_586 = tpu.memref_slice %arg4[%add3A_577, %dma_start3A_585] : memref<106496x128xf32, #tpu.memory_space<hbm>> -> memref<208x128xf32, #tpu.memory_space<hbm>>
    %dma_start3A_587 = arith.constant 0 : i32
    %dma_start3A_588 = arith.constant 0 : i32
    %dma_start3A_589 = tpu.memref_slice %arg6[%dma_start3A_578, %dma_start3A_587, %dma_start3A_588] : memref<4x208x128xf32, #tpu.memory_space<vmem>> -> memref<1x208x128xf32, #tpu.memory_space<vmem>>
    %dma_start3A_590 = tpu.memref_squeeze %dma_start3A_589 : memref<1x208x128xf32, #tpu.memory_space<vmem>> -> memref<208x128xf32, #tpu.memory_space<vmem>>
    tpu.enqueue_dma source(%dma_start3A_590 : memref<208x128xf32, #tpu.memory_space<vmem>>) target(%dma_start3A_586 : memref<208x128xf32, #tpu.memory_space<hbm>>) target_semaphore(%arg14 : memref<!tpu.dma_semaphore, #tpu.memory_space<semaphore_mem>>)
    %add3A_591 = arith.constant 2080 : i32
    %add3A_592 = arith.addi %mul3A_2, %add3A_591 : i32
    %dma_wait3A_593 = arith.constant 2 : i32
    %dma_wait3A_594 = arith.constant 0 : i32
    %dma_wait3A_595 = arith.constant 0 : i32
    %dma_wait3A_596 = tpu.memref_slice %arg6[%dma_wait3A_593, %dma_wait3A_594, %dma_wait3A_595] : memref<4x208x128xf32, #tpu.memory_space<vmem>> -> memref<1x208x128xf32, #tpu.memory_space<vmem>>
    %dma_wait3A_597 = tpu.memref_squeeze %dma_wait3A_596 : memref<1x208x128xf32, #tpu.memory_space<vmem>> -> memref<208x128xf32, #tpu.memory_space<vmem>>
    %dma_wait3A_598 = arith.constant 0 : i32
    %dma_wait3A_599 = tpu.memref_slice %arg4[%add3A_592, %dma_wait3A_598] : memref<106496x128xf32, #tpu.memory_space<hbm>> -> memref<208x128xf32, #tpu.memory_space<hbm>>
    %dma_wait3A_600 = arith.constant 0 : i32
    %dma_wait3A_601 = tpu.memref_slice %arg4[%add3A_592, %dma_wait3A_600] : memref<106496x128xf32, #tpu.memory_space<hbm>> -> memref<208x128xf32, #tpu.memory_space<hbm>>
    %dma_wait3A_602 = arith.constant 0 : i32
    %dma_wait3A_603 = arith.constant 0 : i32
    %dma_wait3A_604 = tpu.memref_slice %arg6[%dma_wait3A_593, %dma_wait3A_602, %dma_wait3A_603] : memref<4x208x128xf32, #tpu.memory_space<vmem>> -> memref<1x208x128xf32, #tpu.memory_space<vmem>>
    %dma_wait3A_605 = tpu.memref_squeeze %dma_wait3A_604 : memref<1x208x128xf32, #tpu.memory_space<vmem>> -> memref<208x128xf32, #tpu.memory_space<vmem>>
    tpu.wait_dma2 semaphore(%arg13 : memref<!tpu.dma_semaphore, #tpu.memory_space<semaphore_mem>>) src(%dma_wait3A_605 : memref<208x128xf32, #tpu.memory_space<vmem>>) dst(%dma_wait3A_601 : memref<208x128xf32, #tpu.memory_space<hbm>>)
    %dma_start3A_606 = arith.constant 2 : i32
    %dma_start3A_607 = arith.constant 0 : i32
    %dma_start3A_608 = arith.constant 0 : i32
    %dma_start3A_609 = tpu.memref_slice %arg6[%dma_start3A_606, %dma_start3A_607, %dma_start3A_608] : memref<4x208x128xf32, #tpu.memory_space<vmem>> -> memref<1x208x128xf32, #tpu.memory_space<vmem>>
    %dma_start3A_610 = tpu.memref_squeeze %dma_start3A_609 : memref<1x208x128xf32, #tpu.memory_space<vmem>> -> memref<208x128xf32, #tpu.memory_space<vmem>>
    %dma_start3A_611 = arith.constant 2912 : i32
    %dma_start3A_612 = tpu.memref_slice %arg5[%dma_start3A_611] : memref<3328xi32, #tpu.memory_space<vmem>> -> memref<208xi32, #tpu.memory_space<vmem>>
    %dma_start3A_613 = arith.constant 0 : i32
    %dma_start3A_614 = arith.constant 0 : i32
    %dma_start3A_615 = tpu.memref_slice %arg2[%dma_start3A_613, %dma_start3A_614] : memref<100000x128xf32, #tpu.memory_space<hbm>> -> memref<100000x128xf32, #tpu.memory_space<hbm>>
    tpu.enqueue_indirect_dma source(%dma_start3A_615 : memref<100000x128xf32, #tpu.memory_space<hbm>>) target(%dma_start3A_610 : memref<208x128xf32, #tpu.memory_space<vmem>>) offsets(%dma_start3A_612 : memref<208xi32, #tpu.memory_space<vmem>>) semaphore(%arg9 : memref<!tpu.dma_semaphore, #tpu.memory_space<semaphore_mem>>)
    %dma_wait3A_616 = arith.constant 0 : i32
    %dma_wait3A_617 = arith.constant 0 : i32
    %dma_wait3A_618 = arith.constant 0 : i32
    %dma_wait3A_619 = tpu.memref_slice %arg6[%dma_wait3A_616, %dma_wait3A_617, %dma_wait3A_618] : memref<4x208x128xf32, #tpu.memory_space<vmem>> -> memref<1x208x128xf32, #tpu.memory_space<vmem>>
    %dma_wait3A_620 = tpu.memref_squeeze %dma_wait3A_619 : memref<1x208x128xf32, #tpu.memory_space<vmem>> -> memref<208x128xf32, #tpu.memory_space<vmem>>
    %dma_wait3A_621 = arith.constant 2496 : i32
    %dma_wait3A_622 = tpu.memref_slice %arg5[%dma_wait3A_621] : memref<3328xi32, #tpu.memory_space<vmem>> -> memref<208xi32, #tpu.memory_space<vmem>>
    %dma_wait3A_623 = arith.constant 0 : i32
    %dma_wait3A_624 = arith.constant 0 : i32
    %dma_wait3A_625 = tpu.memref_slice %arg2[%dma_wait3A_623, %dma_wait3A_624] : memref<100000x128xf32, #tpu.memory_space<hbm>> -> memref<100000x128xf32, #tpu.memory_space<hbm>>
    tpu.wait_indirect_dma semaphore(%arg7 : memref<!tpu.dma_semaphore, #tpu.memory_space<semaphore_mem>>) src(%dma_wait3A_625 : memref<100000x128xf32, #tpu.memory_space<hbm>>) dst(%dma_wait3A_620 : memref<208x128xf32, #tpu.memory_space<vmem>>)
    %add3A_626 = arith.constant 2496 : i32
    %add3A_627 = arith.addi %mul3A_2, %add3A_626 : i32
    %dma_start3A_628 = arith.constant 0 : i32
    %dma_start3A_629 = arith.constant 0 : i32
    %dma_start3A_630 = arith.constant 0 : i32
    %dma_start3A_631 = tpu.memref_slice %arg6[%dma_start3A_628, %dma_start3A_629, %dma_start3A_630] : memref<4x208x128xf32, #tpu.memory_space<vmem>> -> memref<1x208x128xf32, #tpu.memory_space<vmem>>
    %dma_start3A_632 = tpu.memref_squeeze %dma_start3A_631 : memref<1x208x128xf32, #tpu.memory_space<vmem>> -> memref<208x128xf32, #tpu.memory_space<vmem>>
    %dma_start3A_633 = arith.constant 0 : i32
    %dma_start3A_634 = tpu.memref_slice %arg4[%add3A_627, %dma_start3A_633] : memref<106496x128xf32, #tpu.memory_space<hbm>> -> memref<208x128xf32, #tpu.memory_space<hbm>>
    %dma_start3A_635 = arith.constant 0 : i32
    %dma_start3A_636 = tpu.memref_slice %arg4[%add3A_627, %dma_start3A_635] : memref<106496x128xf32, #tpu.memory_space<hbm>> -> memref<208x128xf32, #tpu.memory_space<hbm>>
    %dma_start3A_637 = arith.constant 0 : i32
    %dma_start3A_638 = arith.constant 0 : i32
    %dma_start3A_639 = tpu.memref_slice %arg6[%dma_start3A_628, %dma_start3A_637, %dma_start3A_638] : memref<4x208x128xf32, #tpu.memory_space<vmem>> -> memref<1x208x128xf32, #tpu.memory_space<vmem>>
    %dma_start3A_640 = tpu.memref_squeeze %dma_start3A_639 : memref<1x208x128xf32, #tpu.memory_space<vmem>> -> memref<208x128xf32, #tpu.memory_space<vmem>>
    tpu.enqueue_dma source(%dma_start3A_640 : memref<208x128xf32, #tpu.memory_space<vmem>>) target(%dma_start3A_636 : memref<208x128xf32, #tpu.memory_space<hbm>>) target_semaphore(%arg11 : memref<!tpu.dma_semaphore, #tpu.memory_space<semaphore_mem>>)
    %add3A_641 = arith.constant 2288 : i32
    %add3A_642 = arith.addi %mul3A_2, %add3A_641 : i32
    %dma_wait3A_643 = arith.constant 3 : i32
    %dma_wait3A_644 = arith.constant 0 : i32
    %dma_wait3A_645 = arith.constant 0 : i32
    %dma_wait3A_646 = tpu.memref_slice %arg6[%dma_wait3A_643, %dma_wait3A_644, %dma_wait3A_645] : memref<4x208x128xf32, #tpu.memory_space<vmem>> -> memref<1x208x128xf32, #tpu.memory_space<vmem>>
    %dma_wait3A_647 = tpu.memref_squeeze %dma_wait3A_646 : memref<1x208x128xf32, #tpu.memory_space<vmem>> -> memref<208x128xf32, #tpu.memory_space<vmem>>
    %dma_wait3A_648 = arith.constant 0 : i32
    %dma_wait3A_649 = tpu.memref_slice %arg4[%add3A_642, %dma_wait3A_648] : memref<106496x128xf32, #tpu.memory_space<hbm>> -> memref<208x128xf32, #tpu.memory_space<hbm>>
    %dma_wait3A_650 = arith.constant 0 : i32
    %dma_wait3A_651 = tpu.memref_slice %arg4[%add3A_642, %dma_wait3A_650] : memref<106496x128xf32, #tpu.memory_space<hbm>> -> memref<208x128xf32, #tpu.memory_space<hbm>>
    %dma_wait3A_652 = arith.constant 0 : i32
    %dma_wait3A_653 = arith.constant 0 : i32
    %dma_wait3A_654 = tpu.memref_slice %arg6[%dma_wait3A_643, %dma_wait3A_652, %dma_wait3A_653] : memref<4x208x128xf32, #tpu.memory_space<vmem>> -> memref<1x208x128xf32, #tpu.memory_space<vmem>>
    %dma_wait3A_655 = tpu.memref_squeeze %dma_wait3A_654 : memref<1x208x128xf32, #tpu.memory_space<vmem>> -> memref<208x128xf32, #tpu.memory_space<vmem>>
    tpu.wait_dma2 semaphore(%arg14 : memref<!tpu.dma_semaphore, #tpu.memory_space<semaphore_mem>>) src(%dma_wait3A_655 : memref<208x128xf32, #tpu.memory_space<vmem>>) dst(%dma_wait3A_651 : memref<208x128xf32, #tpu.memory_space<hbm>>)
    %dma_start3A_656 = arith.constant 3 : i32
    %dma_start3A_657 = arith.constant 0 : i32
    %dma_start3A_658 = arith.constant 0 : i32
    %dma_start3A_659 = tpu.memref_slice %arg6[%dma_start3A_656, %dma_start3A_657, %dma_start3A_658] : memref<4x208x128xf32, #tpu.memory_space<vmem>> -> memref<1x208x128xf32, #tpu.memory_space<vmem>>
    %dma_start3A_660 = tpu.memref_squeeze %dma_start3A_659 : memref<1x208x128xf32, #tpu.memory_space<vmem>> -> memref<208x128xf32, #tpu.memory_space<vmem>>
    %dma_start3A_661 = arith.constant 3120 : i32
    %dma_start3A_662 = tpu.memref_slice %arg5[%dma_start3A_661] : memref<3328xi32, #tpu.memory_space<vmem>> -> memref<208xi32, #tpu.memory_space<vmem>>
    %dma_start3A_663 = arith.constant 0 : i32
    %dma_start3A_664 = arith.constant 0 : i32
    %dma_start3A_665 = tpu.memref_slice %arg2[%dma_start3A_663, %dma_start3A_664] : memref<100000x128xf32, #tpu.memory_space<hbm>> -> memref<100000x128xf32, #tpu.memory_space<hbm>>
    tpu.enqueue_indirect_dma source(%dma_start3A_665 : memref<100000x128xf32, #tpu.memory_space<hbm>>) target(%dma_start3A_660 : memref<208x128xf32, #tpu.memory_space<vmem>>) offsets(%dma_start3A_662 : memref<208xi32, #tpu.memory_space<vmem>>) semaphore(%arg10 : memref<!tpu.dma_semaphore, #tpu.memory_space<semaphore_mem>>)
    %dma_wait3A_666 = arith.constant 1 : i32
    %dma_wait3A_667 = arith.constant 0 : i32
    %dma_wait3A_668 = arith.constant 0 : i32
    %dma_wait3A_669 = tpu.memref_slice %arg6[%dma_wait3A_666, %dma_wait3A_667, %dma_wait3A_668] : memref<4x208x128xf32, #tpu.memory_space<vmem>> -> memref<1x208x128xf32, #tpu.memory_space<vmem>>
    %dma_wait3A_670 = tpu.memref_squeeze %dma_wait3A_669 : memref<1x208x128xf32, #tpu.memory_space<vmem>> -> memref<208x128xf32, #tpu.memory_space<vmem>>
    %dma_wait3A_671 = arith.constant 2704 : i32
    %dma_wait3A_672 = tpu.memref_slice %arg5[%dma_wait3A_671] : memref<3328xi32, #tpu.memory_space<vmem>> -> memref<208xi32, #tpu.memory_space<vmem>>
    %dma_wait3A_673 = arith.constant 0 : i32
    %dma_wait3A_674 = arith.constant 0 : i32
    %dma_wait3A_675 = tpu.memref_slice %arg2[%dma_wait3A_673, %dma_wait3A_674] : memref<100000x128xf32, #tpu.memory_space<hbm>> -> memref<100000x128xf32, #tpu.memory_space<hbm>>
    tpu.wait_indirect_dma semaphore(%arg8 : memref<!tpu.dma_semaphore, #tpu.memory_space<semaphore_mem>>) src(%dma_wait3A_675 : memref<100000x128xf32, #tpu.memory_space<hbm>>) dst(%dma_wait3A_670 : memref<208x128xf32, #tpu.memory_space<vmem>>)
    %add3A_676 = arith.constant 2704 : i32
    %add3A_677 = arith.addi %mul3A_2, %add3A_676 : i32
    %dma_start3A_678 = arith.constant 1 : i32
    %dma_start3A_679 = arith.constant 0 : i32
    %dma_start3A_680 = arith.constant 0 : i32
    %dma_start3A_681 = tpu.memref_slice %arg6[%dma_start3A_678, %dma_start3A_679, %dma_start3A_680] : memref<4x208x128xf32, #tpu.memory_space<vmem>> -> memref<1x208x128xf32, #tpu.memory_space<vmem>>
    %dma_start3A_682 = tpu.memref_squeeze %dma_start3A_681 : memref<1x208x128xf32, #tpu.memory_space<vmem>> -> memref<208x128xf32, #tpu.memory_space<vmem>>
    %dma_start3A_683 = arith.constant 0 : i32
    %dma_start3A_684 = tpu.memref_slice %arg4[%add3A_677, %dma_start3A_683] : memref<106496x128xf32, #tpu.memory_space<hbm>> -> memref<208x128xf32, #tpu.memory_space<hbm>>
    %dma_start3A_685 = arith.constant 0 : i32
    %dma_start3A_686 = tpu.memref_slice %arg4[%add3A_677, %dma_start3A_685] : memref<106496x128xf32, #tpu.memory_space<hbm>> -> memref<208x128xf32, #tpu.memory_space<hbm>>
    %dma_start3A_687 = arith.constant 0 : i32
    %dma_start3A_688 = arith.constant 0 : i32
    %dma_start3A_689 = tpu.memref_slice %arg6[%dma_start3A_678, %dma_start3A_687, %dma_start3A_688] : memref<4x208x128xf32, #tpu.memory_space<vmem>> -> memref<1x208x128xf32, #tpu.memory_space<vmem>>
    %dma_start3A_690 = tpu.memref_squeeze %dma_start3A_689 : memref<1x208x128xf32, #tpu.memory_space<vmem>> -> memref<208x128xf32, #tpu.memory_space<vmem>>
    tpu.enqueue_dma source(%dma_start3A_690 : memref<208x128xf32, #tpu.memory_space<vmem>>) target(%dma_start3A_686 : memref<208x128xf32, #tpu.memory_space<hbm>>) target_semaphore(%arg12 : memref<!tpu.dma_semaphore, #tpu.memory_space<semaphore_mem>>)
    %dma_wait3A_691 = arith.constant 2 : i32
    %dma_wait3A_692 = arith.constant 0 : i32
    %dma_wait3A_693 = arith.constant 0 : i32
    %dma_wait3A_694 = tpu.memref_slice %arg6[%dma_wait3A_691, %dma_wait3A_692, %dma_wait3A_693] : memref<4x208x128xf32, #tpu.memory_space<vmem>> -> memref<1x208x128xf32, #tpu.memory_space<vmem>>
    %dma_wait3A_695 = tpu.memref_squeeze %dma_wait3A_694 : memref<1x208x128xf32, #tpu.memory_space<vmem>> -> memref<208x128xf32, #tpu.memory_space<vmem>>
    %dma_wait3A_696 = arith.constant 2912 : i32
    %dma_wait3A_697 = tpu.memref_slice %arg5[%dma_wait3A_696] : memref<3328xi32, #tpu.memory_space<vmem>> -> memref<208xi32, #tpu.memory_space<vmem>>
    %dma_wait3A_698 = arith.constant 0 : i32
    %dma_wait3A_699 = arith.constant 0 : i32
    %dma_wait3A_700 = tpu.memref_slice %arg2[%dma_wait3A_698, %dma_wait3A_699] : memref<100000x128xf32, #tpu.memory_space<hbm>> -> memref<100000x128xf32, #tpu.memory_space<hbm>>
    tpu.wait_indirect_dma semaphore(%arg9 : memref<!tpu.dma_semaphore, #tpu.memory_space<semaphore_mem>>) src(%dma_wait3A_700 : memref<100000x128xf32, #tpu.memory_space<hbm>>) dst(%dma_wait3A_695 : memref<208x128xf32, #tpu.memory_space<vmem>>)
    %add3A_701 = arith.constant 2912 : i32
    %add3A_702 = arith.addi %mul3A_2, %add3A_701 : i32
    %dma_start3A_703 = arith.constant 2 : i32
    %dma_start3A_704 = arith.constant 0 : i32
    %dma_start3A_705 = arith.constant 0 : i32
    %dma_start3A_706 = tpu.memref_slice %arg6[%dma_start3A_703, %dma_start3A_704, %dma_start3A_705] : memref<4x208x128xf32, #tpu.memory_space<vmem>> -> memref<1x208x128xf32, #tpu.memory_space<vmem>>
    %dma_start3A_707 = tpu.memref_squeeze %dma_start3A_706 : memref<1x208x128xf32, #tpu.memory_space<vmem>> -> memref<208x128xf32, #tpu.memory_space<vmem>>
    %dma_start3A_708 = arith.constant 0 : i32
    %dma_start3A_709 = tpu.memref_slice %arg4[%add3A_702, %dma_start3A_708] : memref<106496x128xf32, #tpu.memory_space<hbm>> -> memref<208x128xf32, #tpu.memory_space<hbm>>
    %dma_start3A_710 = arith.constant 0 : i32
    %dma_start3A_711 = tpu.memref_slice %arg4[%add3A_702, %dma_start3A_710] : memref<106496x128xf32, #tpu.memory_space<hbm>> -> memref<208x128xf32, #tpu.memory_space<hbm>>
    %dma_start3A_712 = arith.constant 0 : i32
    %dma_start3A_713 = arith.constant 0 : i32
    %dma_start3A_714 = tpu.memref_slice %arg6[%dma_start3A_703, %dma_start3A_712, %dma_start3A_713] : memref<4x208x128xf32, #tpu.memory_space<vmem>> -> memref<1x208x128xf32, #tpu.memory_space<vmem>>
    %dma_start3A_715 = tpu.memref_squeeze %dma_start3A_714 : memref<1x208x128xf32, #tpu.memory_space<vmem>> -> memref<208x128xf32, #tpu.memory_space<vmem>>
    tpu.enqueue_dma source(%dma_start3A_715 : memref<208x128xf32, #tpu.memory_space<vmem>>) target(%dma_start3A_711 : memref<208x128xf32, #tpu.memory_space<hbm>>) target_semaphore(%arg13 : memref<!tpu.dma_semaphore, #tpu.memory_space<semaphore_mem>>)
    %dma_wait3A_716 = arith.constant 3 : i32
    %dma_wait3A_717 = arith.constant 0 : i32
    %dma_wait3A_718 = arith.constant 0 : i32
    %dma_wait3A_719 = tpu.memref_slice %arg6[%dma_wait3A_716, %dma_wait3A_717, %dma_wait3A_718] : memref<4x208x128xf32, #tpu.memory_space<vmem>> -> memref<1x208x128xf32, #tpu.memory_space<vmem>>
    %dma_wait3A_720 = tpu.memref_squeeze %dma_wait3A_719 : memref<1x208x128xf32, #tpu.memory_space<vmem>> -> memref<208x128xf32, #tpu.memory_space<vmem>>
    %dma_wait3A_721 = arith.constant 3120 : i32
    %dma_wait3A_722 = tpu.memref_slice %arg5[%dma_wait3A_721] : memref<3328xi32, #tpu.memory_space<vmem>> -> memref<208xi32, #tpu.memory_space<vmem>>
    %dma_wait3A_723 = arith.constant 0 : i32
    %dma_wait3A_724 = arith.constant 0 : i32
    %dma_wait3A_725 = tpu.memref_slice %arg2[%dma_wait3A_723, %dma_wait3A_724] : memref<100000x128xf32, #tpu.memory_space<hbm>> -> memref<100000x128xf32, #tpu.memory_space<hbm>>
    tpu.wait_indirect_dma semaphore(%arg10 : memref<!tpu.dma_semaphore, #tpu.memory_space<semaphore_mem>>) src(%dma_wait3A_725 : memref<100000x128xf32, #tpu.memory_space<hbm>>) dst(%dma_wait3A_720 : memref<208x128xf32, #tpu.memory_space<vmem>>)
    %add3A_726 = arith.constant 3120 : i32
    %add3A_727 = arith.addi %mul3A_2, %add3A_726 : i32
    %dma_start3A_728 = arith.constant 3 : i32
    %dma_start3A_729 = arith.constant 0 : i32
    %dma_start3A_730 = arith.constant 0 : i32
    %dma_start3A_731 = tpu.memref_slice %arg6[%dma_start3A_728, %dma_start3A_729, %dma_start3A_730] : memref<4x208x128xf32, #tpu.memory_space<vmem>> -> memref<1x208x128xf32, #tpu.memory_space<vmem>>
    %dma_start3A_732 = tpu.memref_squeeze %dma_start3A_731 : memref<1x208x128xf32, #tpu.memory_space<vmem>> -> memref<208x128xf32, #tpu.memory_space<vmem>>
    %dma_start3A_733 = arith.constant 0 : i32
    %dma_start3A_734 = tpu.memref_slice %arg4[%add3A_727, %dma_start3A_733] : memref<106496x128xf32, #tpu.memory_space<hbm>> -> memref<208x128xf32, #tpu.memory_space<hbm>>
    %dma_start3A_735 = arith.constant 0 : i32
    %dma_start3A_736 = tpu.memref_slice %arg4[%add3A_727, %dma_start3A_735] : memref<106496x128xf32, #tpu.memory_space<hbm>> -> memref<208x128xf32, #tpu.memory_space<hbm>>
    %dma_start3A_737 = arith.constant 0 : i32
    %dma_start3A_738 = arith.constant 0 : i32
    %dma_start3A_739 = tpu.memref_slice %arg6[%dma_start3A_728, %dma_start3A_737, %dma_start3A_738] : memref<4x208x128xf32, #tpu.memory_space<vmem>> -> memref<1x208x128xf32, #tpu.memory_space<vmem>>
    %dma_start3A_740 = tpu.memref_squeeze %dma_start3A_739 : memref<1x208x128xf32, #tpu.memory_space<vmem>> -> memref<208x128xf32, #tpu.memory_space<vmem>>
    tpu.enqueue_dma source(%dma_start3A_740 : memref<208x128xf32, #tpu.memory_space<vmem>>) target(%dma_start3A_736 : memref<208x128xf32, #tpu.memory_space<hbm>>) target_semaphore(%arg14 : memref<!tpu.dma_semaphore, #tpu.memory_space<semaphore_mem>>)
    %add3A_741 = arith.constant 2496 : i32
    %add3A_742 = arith.addi %mul3A_2, %add3A_741 : i32
    %dma_wait3A_743 = arith.constant 0 : i32
    %dma_wait3A_744 = arith.constant 0 : i32
    %dma_wait3A_745 = arith.constant 0 : i32
    %dma_wait3A_746 = tpu.memref_slice %arg6[%dma_wait3A_743, %dma_wait3A_744, %dma_wait3A_745] : memref<4x208x128xf32, #tpu.memory_space<vmem>> -> memref<1x208x128xf32, #tpu.memory_space<vmem>>
    %dma_wait3A_747 = tpu.memref_squeeze %dma_wait3A_746 : memref<1x208x128xf32, #tpu.memory_space<vmem>> -> memref<208x128xf32, #tpu.memory_space<vmem>>
    %dma_wait3A_748 = arith.constant 0 : i32
    %dma_wait3A_749 = tpu.memref_slice %arg4[%add3A_742, %dma_wait3A_748] : memref<106496x128xf32, #tpu.memory_space<hbm>> -> memref<208x128xf32, #tpu.memory_space<hbm>>
    %dma_wait3A_750 = arith.constant 0 : i32
    %dma_wait3A_751 = tpu.memref_slice %arg4[%add3A_742, %dma_wait3A_750] : memref<106496x128xf32, #tpu.memory_space<hbm>> -> memref<208x128xf32, #tpu.memory_space<hbm>>
    %dma_wait3A_752 = arith.constant 0 : i32
    %dma_wait3A_753 = arith.constant 0 : i32
    %dma_wait3A_754 = tpu.memref_slice %arg6[%dma_wait3A_743, %dma_wait3A_752, %dma_wait3A_753] : memref<4x208x128xf32, #tpu.memory_space<vmem>> -> memref<1x208x128xf32, #tpu.memory_space<vmem>>
    %dma_wait3A_755 = tpu.memref_squeeze %dma_wait3A_754 : memref<1x208x128xf32, #tpu.memory_space<vmem>> -> memref<208x128xf32, #tpu.memory_space<vmem>>
    tpu.wait_dma2 semaphore(%arg11 : memref<!tpu.dma_semaphore, #tpu.memory_space<semaphore_mem>>) src(%dma_wait3A_755 : memref<208x128xf32, #tpu.memory_space<vmem>>) dst(%dma_wait3A_751 : memref<208x128xf32, #tpu.memory_space<hbm>>)
    %add3A_756 = arith.constant 2704 : i32
    %add3A_757 = arith.addi %mul3A_2, %add3A_756 : i32
    %dma_wait3A_758 = arith.constant 1 : i32
    %dma_wait3A_759 = arith.constant 0 : i32
    %dma_wait3A_760 = arith.constant 0 : i32
    %dma_wait3A_761 = tpu.memref_slice %arg6[%dma_wait3A_758, %dma_wait3A_759, %dma_wait3A_760] : memref<4x208x128xf32, #tpu.memory_space<vmem>> -> memref<1x208x128xf32, #tpu.memory_space<vmem>>
    %dma_wait3A_762 = tpu.memref_squeeze %dma_wait3A_761 : memref<1x208x128xf32, #tpu.memory_space<vmem>> -> memref<208x128xf32, #tpu.memory_space<vmem>>
    %dma_wait3A_763 = arith.constant 0 : i32
    %dma_wait3A_764 = tpu.memref_slice %arg4[%add3A_757, %dma_wait3A_763] : memref<106496x128xf32, #tpu.memory_space<hbm>> -> memref<208x128xf32, #tpu.memory_space<hbm>>
    %dma_wait3A_765 = arith.constant 0 : i32
    %dma_wait3A_766 = tpu.memref_slice %arg4[%add3A_757, %dma_wait3A_765] : memref<106496x128xf32, #tpu.memory_space<hbm>> -> memref<208x128xf32, #tpu.memory_space<hbm>>
    %dma_wait3A_767 = arith.constant 0 : i32
    %dma_wait3A_768 = arith.constant 0 : i32
    %dma_wait3A_769 = tpu.memref_slice %arg6[%dma_wait3A_758, %dma_wait3A_767, %dma_wait3A_768] : memref<4x208x128xf32, #tpu.memory_space<vmem>> -> memref<1x208x128xf32, #tpu.memory_space<vmem>>
    %dma_wait3A_770 = tpu.memref_squeeze %dma_wait3A_769 : memref<1x208x128xf32, #tpu.memory_space<vmem>> -> memref<208x128xf32, #tpu.memory_space<vmem>>
    tpu.wait_dma2 semaphore(%arg12 : memref<!tpu.dma_semaphore, #tpu.memory_space<semaphore_mem>>) src(%dma_wait3A_770 : memref<208x128xf32, #tpu.memory_space<vmem>>) dst(%dma_wait3A_766 : memref<208x128xf32, #tpu.memory_space<hbm>>)
    %add3A_771 = arith.constant 2912 : i32
    %add3A_772 = arith.addi %mul3A_2, %add3A_771 : i32
    %dma_wait3A_773 = arith.constant 2 : i32
    %dma_wait3A_774 = arith.constant 0 : i32
    %dma_wait3A_775 = arith.constant 0 : i32
    %dma_wait3A_776 = tpu.memref_slice %arg6[%dma_wait3A_773, %dma_wait3A_774, %dma_wait3A_775] : memref<4x208x128xf32, #tpu.memory_space<vmem>> -> memref<1x208x128xf32, #tpu.memory_space<vmem>>
    %dma_wait3A_777 = tpu.memref_squeeze %dma_wait3A_776 : memref<1x208x128xf32, #tpu.memory_space<vmem>> -> memref<208x128xf32, #tpu.memory_space<vmem>>
    %dma_wait3A_778 = arith.constant 0 : i32
    %dma_wait3A_779 = tpu.memref_slice %arg4[%add3A_772, %dma_wait3A_778] : memref<106496x128xf32, #tpu.memory_space<hbm>> -> memref<208x128xf32, #tpu.memory_space<hbm>>
    %dma_wait3A_780 = arith.constant 0 : i32
    %dma_wait3A_781 = tpu.memref_slice %arg4[%add3A_772, %dma_wait3A_780] : memref<106496x128xf32, #tpu.memory_space<hbm>> -> memref<208x128xf32, #tpu.memory_space<hbm>>
    %dma_wait3A_782 = arith.constant 0 : i32
    %dma_wait3A_783 = arith.constant 0 : i32
    %dma_wait3A_784 = tpu.memref_slice %arg6[%dma_wait3A_773, %dma_wait3A_782, %dma_wait3A_783] : memref<4x208x128xf32, #tpu.memory_space<vmem>> -> memref<1x208x128xf32, #tpu.memory_space<vmem>>
    %dma_wait3A_785 = tpu.memref_squeeze %dma_wait3A_784 : memref<1x208x128xf32, #tpu.memory_space<vmem>> -> memref<208x128xf32, #tpu.memory_space<vmem>>
    tpu.wait_dma2 semaphore(%arg13 : memref<!tpu.dma_semaphore, #tpu.memory_space<semaphore_mem>>) src(%dma_wait3A_785 : memref<208x128xf32, #tpu.memory_space<vmem>>) dst(%dma_wait3A_781 : memref<208x128xf32, #tpu.memory_space<hbm>>)
    %add3A_786 = arith.constant 3120 : i32
    %add3A_787 = arith.addi %mul3A_2, %add3A_786 : i32
    %dma_wait3A_788 = arith.constant 3 : i32
    %dma_wait3A_789 = arith.constant 0 : i32
    %dma_wait3A_790 = arith.constant 0 : i32
    %dma_wait3A_791 = tpu.memref_slice %arg6[%dma_wait3A_788, %dma_wait3A_789, %dma_wait3A_790] : memref<4x208x128xf32, #tpu.memory_space<vmem>> -> memref<1x208x128xf32, #tpu.memory_space<vmem>>
    %dma_wait3A_792 = tpu.memref_squeeze %dma_wait3A_791 : memref<1x208x128xf32, #tpu.memory_space<vmem>> -> memref<208x128xf32, #tpu.memory_space<vmem>>
    %dma_wait3A_793 = arith.constant 0 : i32
    %dma_wait3A_794 = tpu.memref_slice %arg4[%add3A_787, %dma_wait3A_793] : memref<106496x128xf32, #tpu.memory_space<hbm>> -> memref<208x128xf32, #tpu.memory_space<hbm>>
    %dma_wait3A_795 = arith.constant 0 : i32
    %dma_wait3A_796 = tpu.memref_slice %arg4[%add3A_787, %dma_wait3A_795] : memref<106496x128xf32, #tpu.memory_space<hbm>> -> memref<208x128xf32, #tpu.memory_space<hbm>>
    %dma_wait3A_797 = arith.constant 0 : i32
    %dma_wait3A_798 = arith.constant 0 : i32
    %dma_wait3A_799 = tpu.memref_slice %arg6[%dma_wait3A_788, %dma_wait3A_797, %dma_wait3A_798] : memref<4x208x128xf32, #tpu.memory_space<vmem>> -> memref<1x208x128xf32, #tpu.memory_space<vmem>>
    %dma_wait3A_800 = tpu.memref_squeeze %dma_wait3A_799 : memref<1x208x128xf32, #tpu.memory_space<vmem>> -> memref<208x128xf32, #tpu.memory_space<vmem>>
    tpu.wait_dma2 semaphore(%arg14 : memref<!tpu.dma_semaphore, #tpu.memory_space<semaphore_mem>>) src(%dma_wait3A_800 : memref<208x128xf32, #tpu.memory_space<vmem>>) dst(%dma_wait3A_796 : memref<208x128xf32, #tpu.memory_space<hbm>>)
    return
  }
}

</mosaic_0001>

<sc_bundles>
// kernel: kernel.3.cloned.1.call-start
scs
__scs_entry_jumppad:
0x0: {  	(pc) =	sbr.rel $0x88, $3  }
0x1: {  	(tag) =	ssettag $0x0;
	lr =	simm.s32 $0x1  }
0x2: {  	[smem:$0x3F9F] =	sst lr;
	_ =	strace $0xD0000000  }
0x3: {  	_ = 	snop  }
0x4: {  	_ = 	snop  }
0x5: {  	_ = 	snop  }
0x6: {  	_ = 	snop  }
0x7: {  	_ = 	snop  }
__scs_overlays_trampoline_lowered:
0x8: {  	[smem:$0x3FAE] =	sst s0  }
0x9: {  	[smem:$0x3FAF] =	sst s1  }
0xa: {  	[smem:$0x3FB0] =	sst s2  }
0xb: {  	[smem:$0x3FB1] =	sst s3  }
0xc: {  	[smem:$0x3FB2] =	sst s4  }
0xd: {  	[smem:$0x3FB3] =	sst s5  }
0xe: {  	[smem:$0x3FB4] =	sst s6  }
0xf: {  	[smem:$0x3FB5] =	sst s7  }
0x10: {  	[smem:$0x3FB6] =	sst s8  }
0x11: {  	[smem:$0x3FB7] =	sst s9;
	s0 =	simm.s32 @!p0 $0x0  }
0x12: {  	s1 =	sld [smem:$0x3F9D];
	s0 =	simm.s32 @p0 $0x1  }
0x13: {  	[smem:$0x3FB8] =	sst s0;
	s0 =	simm.s32 @!p1 $0x0  }
0x14: {  	s2 =	sld [smem:$0x3F9C];
	s0 =	simm.s32 @p1 $0x1  }
0x15: {  	[smem:$0x3FB9] =	sst s0;
	s0 =	simm.s32 @!p2 $0x0  }
0x16: {  	s3 =	sld [smem:$0x3FDB];
	s0 =	simm.s32 @p2 $0x1  }
0x17: {  	s4 =	simm.s32 $0x1BF5;
	[smem:$0x3FBB] =	sst s0  }
0x18: {  	s0 =	sld [smem:$0x3F9E];
	_ =	swait.ge [sflag:s4], $0x0  }
0x19: {  	s7 =	sld [smem:$0x3F9F]  }
0x1a: {  	s8 =	sadd.s32 $0xFFFFE003, lr  }
0x1b: {  	s9 =	sadd.s32 $0xFFFFFEF7, lr;
	s5 =	simm.s32 $0xFFFFFFFF;
	p2 =	slt.u32 s8, $0xFFFFF086  }
0x1c: {  	p1 =	slt.u32 s9, $0xF7A;
	s5 =	simm.s32 @!p2 $0x0  }
0x1d: {  	s5 =	simm.s32 @p1 $0x1;
	p0 =	seq.s32 s7, s2  }
0x1e: {  	s7 =	smul.u32 @!p0 $0xF7A, s2;
	p2 =	seq.s32 @!p0 s5, $0x0  }
0x1f: {  	s9 =	smul.u32 $0xF7A, s1;
	s8 =	simm.s32 @!p0 $0x1BF5;
	p2 =	por !p2, p0  }
0x20: {  	[sflag:s8] =	ssyncset.s32 @!p0 $0xFFFFF086;
	s6 =	sadd.s32 @!p0 s3, s7;
	s7 =	simm.s32 @!p0 $0x108  }
0x21: {  	s3 =	sadd.s32 s3, s9;
	s6 =	sadd.s32 @!p0 $0x88, s6;
	s7 =	simm.s32 @p2 $0x1082  }
0x22: {  	[simem:s7], [sflag:s8] =	dma.local @!p0 [hbm:s6], $0xF7A  }
0x23: {  	s9 =	sor.u32 $0xD0000000, s2;
	s6 =	simm.s32 $0x108;
	_ =	swait.ge @!p0 [sflag:s8], $0x0  }
0x24: {  	s3 =	sadd.s32 $0x88, s3;
	s6 =	simm.s32 @!p1 $0x1082;
	[sflag:s4] =	ssyncset.s32 $0xFFFFF086  }
0x25: {  	[simem:s6], [sflag:s4] =	dma.local [hbm:s3], $0xF7A  }
0x26: {  	[smem:$0x3F9F] =	sst s1;
	(tag) =	ssettag s2;
	_ =	strace s9  }
0x27: {  	s1 =	sld [smem:$0x3FAF]  }
0x28: {  	s2 =	sld [smem:$0x3FB0]  }
0x29: {  	s4 =	sld [smem:$0x3FB2]  }
0x2a: {  	p0 =	seq.s32 s5, $0x0;
	s5 =	sld [smem:$0x3FB3]  }
0x2b: {  	s6 =	sld [smem:$0x3FB4]  }
0x2c: {  	s7 =	sld [smem:$0x3FB5]  }
0x2d: {  	s3 =	simm.s32 $0x108;
	s8 =	sld [smem:$0x3FB6]  }
0x2e: {  	s3 =	simm.s32 @!p0 $0x1082;
	s9 =	sld [smem:$0x3FB7]  }
0x2f: {  	lr =	sadd.s32 s0, s3;
	s0 =	sld [smem:$0x3FAE]  }
0x30: {  	s3 =	sld [smem:$0x3FB1]  }
0x31: {  	[smem:$0x3FBA] =	sst s10  }
0x32: {  	s10 =	sld [smem:$0x3FB8];
	_ =	sdelay $0x3  }
0x33: {  	p0 =	seq.s32 s10, $0x1;
	s10 =	sld [smem:$0x3FBA];
	_ =	sdelay $0x3  }
0x34: {  	[smem:$0x3FBA] =	sst s10  }
0x35: {  	s10 =	sld [smem:$0x3FB9];
	_ =	sdelay $0x3  }
0x36: {  	p1 =	seq.s32 s10, $0x1;
	s10 =	sld [smem:$0x3FBA];
	_ =	sdelay $0x3  }
0x37: {  	[smem:$0x3FBA] =	sst s10  }
0x38: {  	s10 =	sld [smem:$0x3FBB]  }
0x39: {  	_ = 	snop;
	(pc) =	sbr.ind lr, $3  }
0x3a: {  	_ = 	snop  }
0x3b: {  	_ = 	snop  }
0x3c: {  	p2 =	seq.s32 s10, $0x1;
	s10 =	sld [smem:$0x3FBA]  }
0x3d: {  	_ =	shalt  }
0x3e: {  	_ =	shalt  }
0x3f: {  	_ =	shalt  }
0x40: {  	_ =	shalt  }
0x41: {  	_ =	shalt  }
0x42: {  	_ =	shalt  }
0x43: {  	_ =	shalt  }
0x44: {  	_ =	shalt  }
0x45: {  	_ =	shalt  }
0x46: {  	_ =	shalt  }
0x47: {  	_ =	shalt  }
0x48: {  	_ =	shalt  }
0x49: {  	_ =	shalt  }
0x4a: {  	_ =	shalt  }
0x4b: {  	_ =	shalt  }
0x4c: {  	_ =	shalt  }
0x4d: {  	_ =	shalt  }
0x4e: {  	_ =	shalt  }
0x4f: {  	_ =	shalt  }
0x50: {  	_ =	shalt  }
0x51: {  	_ =	shalt  }
0x52: {  	_ =	shalt  }
0x53: {  	_ =	shalt  }
0x54: {  	_ =	shalt  }
0x55: {  	_ =	shalt  }
0x56: {  	_ =	shalt  }
0x57: {  	_ =	shalt  }
0x58: {  	_ =	shalt  }
0x59: {  	_ =	shalt  }
0x5a: {  	_ =	shalt  }
0x5b: {  	_ =	shalt  }
0x5c: {  	_ =	shalt  }
0x5d: {  	_ =	shalt  }
0x5e: {  	_ =	shalt  }
0x5f: {  	_ =	shalt  }
0x60: {  	_ =	shalt  }
0x61: {  	_ =	shalt  }
0x62: {  	_ =	shalt  }
0x63: {  	_ =	shalt  }
0x64: {  	_ =	shalt  }
0x65: {  	_ =	shalt  }
0x66: {  	_ =	shalt  }
0x67: {  	_ =	shalt  }
0x68: {  	_ =	shalt  }
0x69: {  	_ =	shalt  }
0x6a: {  	_ =	shalt  }
0x6b: {  	_ =	shalt  }
0x6c: {  	_ =	shalt  }
0x6d: {  	_ =	shalt  }
0x6e: {  	_ =	shalt  }
0x6f: {  	_ =	shalt  }
0x70: {  	_ =	shalt  }
0x71: {  	_ =	shalt  }
0x72: {  	_ =	shalt  }
0x73: {  	_ =	shalt  }
0x74: {  	_ =	shalt  }
0x75: {  	_ =	shalt  }
0x76: {  	_ =	shalt  }
0x77: {  	_ =	shalt  }
0x78: {  	_ =	shalt  }
0x79: {  	_ =	shalt  }
0x7a: {  	_ =	shalt  }
0x7b: {  	_ =	shalt  }
0x7c: {  	_ =	shalt  }
0x7d: {  	_ =	shalt  }
0x7e: {  	_ =	shalt  }
0x7f: {  	_ =	shalt  }
0x80: {  	_ =	shalt  }
0x81: {  	_ =	shalt  }
0x82: {  	_ =	shalt  }
0x83: {  	_ =	shalt  }
0x84: {  	_ =	shalt  }
0x85: {  	_ =	shalt  }
0x86: {  	_ =	shalt  }
0x87: {  	_ =	shalt  }
.Lfunc_end0:
.L_simem_size_0:
called_computation.1_lowered:
.L_overlay_start_0:
0x88: {  	s2 =	sld [smem:$0x3FD9]  }
0x89: {  	s3 =	sld [smem:$0x3FFE];
	_ =	sdelay $0x1  }
0x8a: {  	s1 =	srdreg.scid  }
0x8b: {  	s0 =	sand.u32 $0x1, s1  }
0x8c: {  	s17 =	sshll.u32 s0, $0xA;
	s2 =	sadd.s32 s3, s2  }
0x8d: {  	s2 =	sadd.s32 s2, s17  }
0x8e: {  	[smem:$0x3FC6] =	sst s2  }
0x8f: {  	_ = 	snop  }
0x90: {  	s2 =	sld [smem:$0x3FC8]  }
0x91: {  	s18 =	sld [smem:$0x3FD0];
	(tm) =	ssettm $0x1  }
0x92: {  	s4 =	sld [smem:$0x3FFB];
	_ =	sdelay $0x3  }
0x93: {  	_ =	strace s4  }
0x94: {  	s4 =	sld [smem:$0x3FFC];
	_ =	sdelay $0x3  }
0x95: {  	_ =	strace s4  }
0x96: {  	s4 =	sld [smem:$0x3FFD];
	_ =	sdelay $0x3  }
0x97: {  	_ =	strace s4  }
0x98: {  	_ =	strace $0x8FFFFFFF  }
0x99: {  	s19 =	sld [smem:$0x3FDB];
	_ =	sdelay $0x1  }
0x9a: {  	s5 =	simm.s32 $_scs_section_size  }
0x9b: {  	s6 =	simm.s32 $_size__tile_overlayer_lowered;
	s7 =	simm.s32 $_tile_overlayer_lowered  }
0x9c: {  	s22 =	simm.s32 $0x1BFF;
	s21 =	sshll.u32 s7, $0x1;
	s4 =	sadd.s32 s5, s19  }
0x9d: {  	s8 =	simm.s32 $0x0;
	s20 =	sshll.u32 s6, $0x1;
	s6 =	sadd.s32 s21, s4  }
0x9e: {  	[timem:s8], [sflag:s22] =	dma.local [hbm:s6], s20  }
0x9f: {  	_ =	swait.ge [sflag:s22], s20  }
0xa0: {  	s5 =	ssub.s32 $0x0, s20;
	[sflag:s22] =	ssyncset.done $0x0  }
0xa1: {  	[sflag:s22] =	ssyncadd.s32 s5;
	_ =	sdelay $0x1  }
0xa2: {  	s23 =	simm.s32 $0x1B8B  }
0xa3: {  	_ =	swait.ge [sflag:s23], $0x1  }
0xa4: {  	[sflag:s23] =	ssyncset.done $0x0  }
0xa5: {  	s25 =	simm.s32 $0x1B8E;
	s24 =	sld [smem:$0x3FFE];
	[sflag:s23] =	ssyncadd.s32 $0xFFFFFFFF  }
0xa6: {  	s26 =	simm.s32 $execute0_lowered;
	[smem:$0x3FD2] =	sst s25  }
0xa7: {  	s6 =	sshll.u32 s26, $0x1;
	_ =	strace $0x80000046;
	[dreg:$0x1] =	wrdreg $0xFFFFFFFF  }
0xa8: {  	s28 =	simm.s32 $_size_execute0_lowered;
	s4 =	sadd.s32 s4, s6;
	[dreg:$0x0] =	wrdreg $0x0  }
0xa9: {  	s6 =	sshll.u32 s28, $0x1;
	[dreg:$0x2] =	wrdreg s4  }
0xaa: {  	[dreg:$0x3] =	wrdreg s6  }
0xab: {  	[dreg:$0x4] =	wrdreg $0xC0  }
0xac: {  	_ =	task [dreg:s8], $0x5FFFF  }
0xad: {  	[dreg:$0x1] =	wrdreg $0xFFFFFFFF  }
0xae: {  	[dreg:$0x0] =	wrdreg $0x60  }
0xaf: {  	[dreg:$0x2] =	wrdreg s2  }
0xb0: {  	[dreg:$0x3] =	wrdreg s24  }
0xb1: {  	[dreg:$0x4] =	wrdreg s18  }
0xb2: {  	[dreg:$0x5] =	wrdreg $0x9  }
0xb3: {  	_ =	task.clear_ibuf [dreg:s8], $0x6FFFF;
	_ =	strace $0x90000046  }
0xb4: {  	s29 =	simm.s32 $0x9;
	_ =	strace $0x80000048  }
0xb5: {  	_ =	swait.ge [sflag:s29], $0x1  }
0xb6: {  	[sflag:s29] =	ssyncadd.s32 $0xFFFFFFFF  }
0xb7: {  	_ =	strace $0x90000048  }
0xb8: {  	_ =	sfence  }
0xb9: {  	s30 =	sld [smem:$0x0];
	_ =	sdelay $0x2  }
0xba: {  	s31 =	sshll.u32 s1, $0xD;
	s1 =	sshrl.u32 s1, $0x2  }
0xbb: {  	s3 =	sand.u32 $0x4000, s31;
	s1 =	sadd.s32 s1, s30  }
0xbc: {  	s0 =	sor.u32 s3, s0;
	s1 =	sshll.u32 s1, $0x11  }
0xbd: {  	s0 =	sor.u32 s1, s0  }
0xbe: {  	s0 =	sadd.s32 $0x8F2B, s0  }
0xbf: {  	[sflag:s0] =	ssyncadd.remote.s32 $0x1  }
0xc0: {  	_ =	sfence.sel $0xFFFF  }
0xc1: {  	[dreg:$0x0] =	wrdreg $0xFFFFFFFF;
	(pc) =	sbr.abs _section_cstart, $3  }
0xc2: {  	[dreg:$0x1] =	wrdreg $0xFFFFFFFF  }
0xc3: {  	_ =	task.clear_ibuf [dreg:s8], $0x2FFFF;
	_ =	strace $0x9FFFFFFF  }
0xc4: {  	(tm) =	ssettm $0x7FFFFFFF  }
0xc5: {  	_ =	shalt  }
tec
execute0_lowered:
.L_overlay_start_1:
0x0: {  	(tag) =	ssettag $0x1  }
0x1: {  	s3 =	rddreg [dreg:$0x0]  }
0x2: {  	s0 =	srdreg.scid;
	s4 =	rddreg [dreg:$0x1]  }
0x3: {  	s1 =	stileid.u32;
	s5 =	rddreg [dreg:$0x2]  }
0x4: {  	s2 =	simm.s32 $0x0;
	s0 =	sand.u32 $0x1, s0;
	s1 =	sshll.u32 s1, $0x1  }
0x5: {  	s31 =	simm.s32 $0x9;
	s25 =	simm.s32 $0x1A0;
	s1 =	sor.u32 s0, s1  }
0x6: {  	s26 =	simm.s32 $0x270;
	s8 =	simm.s32 $0x14500;
	s6 =	smul.u32 $0x1A0, s1  }
0x7: {  	s30 =	simm.s32 $0x340;
	[smem:$0x7FF] =	sst s2;
	s7 =	smul.u32 $0xD000, s1  }
0x8: {  	_ =	strace $0x80000047;
	[dreg:$0x14] =	wrdreg s25;
	s1 =	smul.u32 $0x68000, s1  }
0x9: {  	s29 =	simm.s32 $0x410;
	[dreg:$0x15] =	wrdreg s26;
	s4 =	sadd.s32 s6, s4  }
0xa: {  	s22 =	sadd.s32 s5, s7;
	s1 =	sshrl.u32 s1, $0x3;
	s4 =	sadd.s32 $0x800, s4  }
0xb: {  	s9 =	sadd.s32 $0xD00, s22;
	s1 =	sadd.s32 s5, s1;
	[dreg:$0x4] =	wrdreg s4  }
0xc: {  	s28 =	simm.s32 $0x4E0;
	[dreg:$0x5] =	wrdreg s9;
	s10 =	sadd.s32 $0x1A00, s1  }
0xd: {  	p0 =	por $0x0, $0x0;
	s11 =	sadd.s32 $0x2700, s1;
	[dreg:$0x6] =	wrdreg s10  }
0xe: {  	s0 =	ssub.s32 $0x2, s0;
	s12 =	sadd.s32 $0x3400, s1;
	[dreg:$0x7] =	wrdreg s11  }
0xf: {  	s26 =	simm.s32 $0x5B0;
	s13 =	sadd.s32 $0x4100, s1;
	[dreg:$0x8] =	wrdreg s12  }
0x10: {  	s25 =	simm.s32 $0x680;
	s14 =	sadd.s32 $0x4E00, s1;
	[dreg:$0x9] =	wrdreg s13  }
0x11: {  	s23 =	sshrl.u32 s0, $0x1;
	s15 =	sadd.s32 $0x5B00, s1;
	[dreg:$0xa] =	wrdreg s14  }
0x12: {  	s0 =	ssub.s32 s0, s23;
	s16 =	sadd.s32 $0x6800, s1;
	[dreg:$0xb] =	wrdreg s15  }
0x13: {  	s23 =	simm.s32 $0x820;
	s17 =	sadd.s32 $0x7500, s1;
	[dreg:$0xc] =	wrdreg s16  }
0x14: {  	s0 =	smax.u32 s0, $0x1;
	s18 =	sadd.s32 $0x8200, s1;
	[dreg:$0xd] =	wrdreg s17  }
0x15: {  	s6 =	simm.s32 $0x6;
	s19 =	sadd.s32 $0x8F00, s1;
	[dreg:$0xe] =	wrdreg s18  }
0x16: {  	s7 =	simm.s32 $0x7;
	s20 =	sadd.s32 $0x9C00, s1;
	[dreg:$0xf] =	wrdreg s19  }
0x17: {  	s5 =	simm.s32 $0x5;
	s21 =	sadd.s32 $0xA900, s1;
	[dreg:$0x10] =	wrdreg s20  }
0x18: {  	p1 =	sne.s32 s0, $0x1;
	s24 =	sadd.s32 $0xB600, s1;
	[dreg:$0x11] =	wrdreg s21  }
0x19: {  	s1 =	sadd.s32 $0xC300, s1;
	s9 =	simm.s32 $0xDD00;
	[dreg:$0x12] =	wrdreg s24  }
0x1a: {  	s4 =	simm.s32 $0x8;
	[dreg:$0x13] =	wrdreg s1;
	s11 =	simm.s32 $0xD0  }
.Ltmp0:
0x1b: {  	s14 =	simm.s32 $0xD00;
	s10 =	simm.s32 $0x7500;
	(pc) =	sbr.rel @!p1 .LBB2_3-.Ltmp0, $4  }
0x1c: {  	s16 =	simm.s32 $0x1;
	s15 =	simm.s32 $0x2;
	s13 =	simm.s32 $0x3  }
0x1d: {  	s12 =	simm.s32 $0x4;
	s24 =	simm.s32 $0x750;
	s1 =	sadd.s32 $0xFFFFFFFF, s0  }
0x1e: {  	s21 =	simm.s32 $0x8F0;
	s20 =	simm.s32 $0x9C0;
	s19 =	simm.s32 $0xA90  }
0x1f: {  	s18 =	simm.s32 $0xB60;
	s17 =	simm.s32 $0xC30;
	s0 =	rddreg [dreg:$0x4]  }
0x20: {  	[tilespmem:s2], [sflag:$0x9] =	stream.linear.gather [hbm4b:s0+s2], $0xD00, $0x38;
	[tilespmem:$0x1AD00] =	vst v63  }
0x21: {  	_ =	swait.ge [sflag:s31], $0xD00  }
0x22: {  	[sflag:s31] =	ssyncset.done $0x0  }
0x23: {  	[sflag:s31] =	ssyncadd.s32 $0xFFFFF300  }
0x24: {  	[tilespmem:s14], [sflag:$0x1] =	stream.indirect.gather [hbm4b:s3+s11], $0x80, s2, s11, $0xb8;
	[tilespmem:$0x1AD00] =	vst v63  }
0x25: {  	_ = 	snop  }
0x26: {  	[tilespmem:s10], [sflag:$0x2] =	stream.indirect.gather [hbm4b:s3+s11], $0x80, s11, s11, $0xb8;
	[tilespmem:$0x1AD00] =	vst v63  }
0x27: {  	s0 =	rddreg [dreg:$0x14]  }
0x28: {  	[tilespmem:s9], [sflag:$0x3] =	stream.indirect.gather [hbm4b:s3+s11], $0x80, s0, s11, $0xb8;
	[tilespmem:$0x1AD00] =	vst v63  }
0x29: {  	_ =	swait.ge [sflag:s16], $0x6800  }
0x2a: {  	[sflag:s16] =	ssyncset.done $0x0  }
0x2b: {  	[sflag:s16] =	ssyncadd.s32 $0xFFFF9800  }
0x2c: {  	[hbm4b:s22+s2] =	stream.linear.scatter [tilespmem:s14], [sflag:$0x5], $0x6800, $0x38;
	[tilespmem:$0x1AD00] =	vst v63  }
0x2d: {  	s0 =	rddreg [dreg:$0x15]  }
0x2e: {  	[tilespmem:s8], [sflag:$0x4] =	stream.indirect.gather [hbm4b:s3+s11], $0x80, s0, s11, $0xb8;
	[tilespmem:$0x1AD00] =	vst v63  }
0x2f: {  	_ =	swait.ge [sflag:s15], $0x6800  }
0x30: {  	[sflag:s15] =	ssyncset.done $0x0  }
0x31: {  	s0 =	rddreg [dreg:$0x5];
	[sflag:s15] =	ssyncadd.s32 $0xFFFF9800  }
0x32: {  	[hbm4b:s0+s2] =	stream.linear.scatter [tilespmem:s10], [sflag:$0x6], $0x6800, $0x38;
	[tilespmem:$0x1AD00] =	vst v63  }
0x33: {  	_ =	swait.ge [sflag:s5], $0x6800  }
0x34: {  	[sflag:s5] =	ssyncset.done $0x0  }
0x35: {  	[sflag:s5] =	ssyncadd.s32 $0xFFFF9800  }
0x36: {  	[tilespmem:s14], [sflag:$0x1] =	stream.indirect.gather [hbm4b:s3+s11], $0x80, s30, s11, $0xb8;
	[tilespmem:$0x1AD00] =	vst v63  }
0x37: {  	_ =	swait.ge [sflag:s13], $0x6800  }
0x38: {  	[sflag:s13] =	ssyncset.done $0x0  }
0x39: {  	s0 =	rddreg [dreg:$0x6];
	[sflag:s13] =	ssyncadd.s32 $0xFFFF9800  }
0x3a: {  	[hbm4b:s0+s2] =	stream.linear.scatter [tilespmem:s9], [sflag:$0x7], $0x6800, $0x38;
	[tilespmem:$0x1AD00] =	vst v63  }
0x3b: {  	_ =	swait.ge [sflag:s6], $0x6800  }
0x3c: {  	[sflag:s6] =	ssyncset.done $0x0  }
0x3d: {  	[sflag:s6] =	ssyncadd.s32 $0xFFFF9800  }
0x3e: {  	[tilespmem:s10], [sflag:$0x2] =	stream.indirect.gather [hbm4b:s3+s11], $0x80, s29, s11, $0xb8;
	[tilespmem:$0x1AD00] =	vst v63  }
0x3f: {  	_ =	swait.ge [sflag:s12], $0x6800  }
0x40: {  	[sflag:s12] =	ssyncset.done $0x0  }
0x41: {  	s0 =	rddreg [dreg:$0x7];
	[sflag:s12] =	ssyncadd.s32 $0xFFFF9800  }
0x42: {  	[hbm4b:s0+s2] =	stream.linear.scatter [tilespmem:s8], [sflag:$0x8], $0x6800, $0x38;
	[tilespmem:$0x1AD00] =	vst v63  }
0x43: {  	_ =	swait.ge [sflag:s7], $0x6800  }
0x44: {  	[sflag:s7] =	ssyncset.done $0x0  }
0x45: {  	[sflag:s7] =	ssyncadd.s32 $0xFFFF9800  }
0x46: {  	[tilespmem:s9], [sflag:$0x3] =	stream.indirect.gather [hbm4b:s3+s11], $0x80, s28, s11, $0xb8;
	[tilespmem:$0x1AD00] =	vst v63  }
0x47: {  	_ =	swait.ge [sflag:s16], $0x6800  }
0x48: {  	[sflag:s16] =	ssyncset.done $0x0  }
0x49: {  	s0 =	rddreg [dreg:$0x8];
	[sflag:s16] =	ssyncadd.s32 $0xFFFF9800  }
0x4a: {  	[hbm4b:s0+s2] =	stream.linear.scatter [tilespmem:s14], [sflag:$0x5], $0x6800, $0x38;
	[tilespmem:$0x1AD00] =	vst v63  }
0x4b: {  	_ =	swait.ge [sflag:s4], $0x6800  }
0x4c: {  	[sflag:s4] =	ssyncset.done $0x0  }
0x4d: {  	[sflag:s4] =	ssyncadd.s32 $0xFFFF9800  }
0x4e: {  	[tilespmem:s8], [sflag:$0x4] =	stream.indirect.gather [hbm4b:s3+s11], $0x80, s26, s11, $0xb8;
	[tilespmem:$0x1AD00] =	vst v63  }
0x4f: {  	_ =	swait.ge [sflag:s15], $0x6800  }
0x50: {  	[sflag:s15] =	ssyncset.done $0x0  }
0x51: {  	s0 =	rddreg [dreg:$0x9];
	[sflag:s15] =	ssyncadd.s32 $0xFFFF9800  }
0x52: {  	[hbm4b:s0+s2] =	stream.linear.scatter [tilespmem:s10], [sflag:$0x6], $0x6800, $0x38;
	[tilespmem:$0x1AD00] =	vst v63  }
0x53: {  	_ =	swait.ge [sflag:s5], $0x6800  }
0x54: {  	[sflag:s5] =	ssyncset.done $0x0  }
0x55: {  	[sflag:s5] =	ssyncadd.s32 $0xFFFF9800  }
0x56: {  	[tilespmem:s14], [sflag:$0x1] =	stream.indirect.gather [hbm4b:s3+s11], $0x80, s25, s11, $0xb8;
	[tilespmem:$0x1AD00] =	vst v63  }
0x57: {  	_ =	swait.ge [sflag:s13], $0x6800  }
0x58: {  	[sflag:s13] =	ssyncset.done $0x0  }
0x59: {  	s0 =	rddreg [dreg:$0xa];
	[sflag:s13] =	ssyncadd.s32 $0xFFFF9800  }
0x5a: {  	[hbm4b:s0+s2] =	stream.linear.scatter [tilespmem:s9], [sflag:$0x7], $0x6800, $0x38;
	[tilespmem:$0x1AD00] =	vst v63  }
0x5b: {  	_ =	swait.ge [sflag:s6], $0x6800  }
0x5c: {  	[sflag:s6] =	ssyncset.done $0x0  }
0x5d: {  	[sflag:s6] =	ssyncadd.s32 $0xFFFF9800  }
0x5e: {  	[tilespmem:s10], [sflag:$0x2] =	stream.indirect.gather [hbm4b:s3+s11], $0x80, s24, s11, $0xb8;
	[tilespmem:$0x1AD00] =	vst v63  }
0x5f: {  	_ =	swait.ge [sflag:s12], $0x6800  }
0x60: {  	[sflag:s12] =	ssyncset.done $0x0  }
0x61: {  	s0 =	rddreg [dreg:$0xb];
	[sflag:s12] =	ssyncadd.s32 $0xFFFF9800  }
0x62: {  	[hbm4b:s0+s2] =	stream.linear.scatter [tilespmem:s8], [sflag:$0x8], $0x6800, $0x38;
	[tilespmem:$0x1AD00] =	vst v63  }
0x63: {  	_ =	swait.ge [sflag:s7], $0x6800  }
0x64: {  	[sflag:s7] =	ssyncset.done $0x0  }
0x65: {  	[sflag:s7] =	ssyncadd.s32 $0xFFFF9800  }
0x66: {  	[tilespmem:s9], [sflag:$0x3] =	stream.indirect.gather [hbm4b:s3+s11], $0x80, s23, s11, $0xb8;
	[tilespmem:$0x1AD00] =	vst v63  }
0x67: {  	_ =	swait.ge [sflag:s16], $0x6800  }
0x68: {  	[sflag:s16] =	ssyncset.done $0x0  }
0x69: {  	s0 =	rddreg [dreg:$0xc];
	[sflag:s16] =	ssyncadd.s32 $0xFFFF9800  }
0x6a: {  	[hbm4b:s0+s2] =	stream.linear.scatter [tilespmem:s14], [sflag:$0x5], $0x6800, $0x38;
	[tilespmem:$0x1AD00] =	vst v63  }
0x6b: {  	_ =	swait.ge [sflag:s4], $0x6800  }
0x6c: {  	[sflag:s4] =	ssyncset.done $0x0  }
0x6d: {  	[sflag:s4] =	ssyncadd.s32 $0xFFFF9800  }
0x6e: {  	[tilespmem:s8], [sflag:$0x4] =	stream.indirect.gather [hbm4b:s3+s11], $0x80, s21, s11, $0xb8;
	[tilespmem:$0x1AD00] =	vst v63  }
0x6f: {  	_ =	swait.ge [sflag:s15], $0x6800  }
0x70: {  	[sflag:s15] =	ssyncset.done $0x0  }
0x71: {  	s0 =	rddreg [dreg:$0xd];
	[sflag:s15] =	ssyncadd.s32 $0xFFFF9800  }
0x72: {  	[hbm4b:s0+s2] =	stream.linear.scatter [tilespmem:s10], [sflag:$0x6], $0x6800, $0x38;
	[tilespmem:$0x1AD00] =	vst v63  }
0x73: {  	_ =	swait.ge [sflag:s5], $0x6800  }
0x74: {  	[sflag:s5] =	ssyncset.done $0x0  }
0x75: {  	[sflag:s5] =	ssyncadd.s32 $0xFFFF9800  }
0x76: {  	[tilespmem:s14], [sflag:$0x1] =	stream.indirect.gather [hbm4b:s3+s11], $0x80, s20, s11, $0xb8;
	[tilespmem:$0x1AD00] =	vst v63  }
0x77: {  	_ =	swait.ge [sflag:s13], $0x6800  }
0x78: {  	[sflag:s13] =	ssyncset.done $0x0  }
0x79: {  	s0 =	rddreg [dreg:$0xe];
	[sflag:s13] =	ssyncadd.s32 $0xFFFF9800  }
0x7a: {  	[hbm4b:s0+s2] =	stream.linear.scatter [tilespmem:s9], [sflag:$0x7], $0x6800, $0x38;
	[tilespmem:$0x1AD00] =	vst v63  }
0x7b: {  	_ =	swait.ge [sflag:s6], $0x6800  }
0x7c: {  	[sflag:s6] =	ssyncset.done $0x0  }
0x7d: {  	[sflag:s6] =	ssyncadd.s32 $0xFFFF9800  }
0x7e: {  	[tilespmem:s10], [sflag:$0x2] =	stream.indirect.gather [hbm4b:s3+s11], $0x80, s19, s11, $0xb8;
	[tilespmem:$0x1AD00] =	vst v63  }
0x7f: {  	_ =	swait.ge [sflag:s12], $0x6800  }
0x80: {  	[sflag:s12] =	ssyncset.done $0x0  }
0x81: {  	s0 =	rddreg [dreg:$0xf];
	[sflag:s12] =	ssyncadd.s32 $0xFFFF9800  }
0x82: {  	[hbm4b:s0+s2] =	stream.linear.scatter [tilespmem:s8], [sflag:$0x8], $0x6800, $0x38;
	[tilespmem:$0x1AD00] =	vst v63  }
0x83: {  	_ =	swait.ge [sflag:s7], $0x6800  }
0x84: {  	[sflag:s7] =	ssyncset.done $0x0  }
0x85: {  	[sflag:s7] =	ssyncadd.s32 $0xFFFF9800  }
0x86: {  	[tilespmem:s9], [sflag:$0x3] =	stream.indirect.gather [hbm4b:s3+s11], $0x80, s18, s11, $0xb8;
	[tilespmem:$0x1AD00] =	vst v63  }
0x87: {  	_ =	swait.ge [sflag:s16], $0x6800  }
0x88: {  	[sflag:s16] =	ssyncset.done $0x0  }
0x89: {  	s0 =	rddreg [dreg:$0x10];
	[sflag:s16] =	ssyncadd.s32 $0xFFFF9800  }
0x8a: {  	[hbm4b:s0+s2] =	stream.linear.scatter [tilespmem:s14], [sflag:$0x5], $0x6800, $0x38;
	[tilespmem:$0x1AD00] =	vst v63  }
0x8b: {  	_ =	swait.ge [sflag:s4], $0x6800  }
0x8c: {  	[sflag:s4] =	ssyncset.done $0x0  }
0x8d: {  	[sflag:s4] =	ssyncadd.s32 $0xFFFF9800  }
0x8e: {  	[tilespmem:s8], [sflag:$0x4] =	stream.indirect.gather [hbm4b:s3+s11], $0x80, s17, s11, $0xb8;
	[tilespmem:$0x1AD00] =	vst v63  }
0x8f: {  	_ =	swait.ge [sflag:s15], $0x6800  }
0x90: {  	[sflag:s15] =	ssyncset.done $0x0  }
0x91: {  	s0 =	rddreg [dreg:$0x11];
	[sflag:s15] =	ssyncadd.s32 $0xFFFF9800  }
0x92: {  	[hbm4b:s0+s2] =	stream.linear.scatter [tilespmem:s10], [sflag:$0x6], $0x6800, $0x38;
	[tilespmem:$0x1AD00] =	vst v63  }
0x93: {  	_ =	swait.ge [sflag:s13], $0x6800  }
0x94: {  	[sflag:s13] =	ssyncset.done $0x0  }
0x95: {  	s0 =	rddreg [dreg:$0x12];
	[sflag:s13] =	ssyncadd.s32 $0xFFFF9800  }
0x96: {  	[hbm4b:s0+s2] =	stream.linear.scatter [tilespmem:s9], [sflag:$0x7], $0x6800, $0x38;
	[tilespmem:$0x1AD00] =	vst v63  }
0x97: {  	_ =	swait.ge [sflag:s12], $0x6800  }
0x98: {  	[sflag:s12] =	ssyncset.done $0x0  }
0x99: {  	s0 =	rddreg [dreg:$0x13];
	[sflag:s12] =	ssyncadd.s32 $0xFFFF9800  }
0x9a: {  	[hbm4b:s0+s2] =	stream.linear.scatter [tilespmem:s8], [sflag:$0x8], $0x6800, $0x38;
	[tilespmem:$0x1AD00] =	vst v63  }
0x9b: {  	_ =	swait.ge [sflag:s5], $0x6800  }
0x9c: {  	[sflag:s5] =	ssyncset.done $0x0  }
0x9d: {  	[sflag:s5] =	ssyncadd.s32 $0xFFFF9800  }
0x9e: {  	_ =	swait.ge [sflag:s6], $0x6800  }
0x9f: {  	[sflag:s6] =	ssyncset.done $0x0  }
0xa0: {  	p1 =	sne.s32 s1, $0x1;
	[sflag:s6] =	ssyncadd.s32 $0xFFFF9800  }
.Ltmp1:
0xa1: {  	_ =	swait.ge [sflag:s7], $0x6800;
	(pc) =	sbr.rel @!p1 .LBB2_3-.Ltmp1, $4  }
0xa2: {  	[sflag:s7] =	ssyncset.done $0x0  }
0xa3: {  	[sflag:s7] =	ssyncadd.s32 $0xFFFF9800  }
0xa4: {  	s1 =	sadd.s32 $0xFFFFFFFF, s1;
	_ =	swait.ge [sflag:s4], $0x6800  }
0xa5: {  	p0 =	por $0x1, $0x1;
	s0 =	rddreg [dreg:$0x4];
	[sflag:s4] =	ssyncset.done $0x0  }
.LBB2_2:
0xa6: {  	[sflag:s4] =	ssyncadd.s32 $0xFFFF9800  }
0xa7: {  	[tilespmem:s2], [sflag:$0x9] =	stream.linear.gather [hbm4b:s0+s2], $0xD00, $0x38;
	[tilespmem:$0x1AD00] =	vst v63  }
0xa8: {  	_ =	swait.ge [sflag:s31], $0xD00  }
0xa9: {  	[sflag:s31] =	ssyncset.done $0x0  }
0xaa: {  	[sflag:s31] =	ssyncadd.s32 $0xFFFFF300  }
0xab: {  	[tilespmem:s14], [sflag:$0x1] =	stream.indirect.gather [hbm4b:s3+s11], $0x80, s2, s11, $0xb8;
	[tilespmem:$0x1AD00] =	vst v63  }
0xac: {  	_ = 	snop  }
0xad: {  	[tilespmem:s10], [sflag:$0x2] =	stream.indirect.gather [hbm4b:s3+s11], $0x80, s11, s11, $0xb8;
	[tilespmem:$0x1AD00] =	vst v63  }
0xae: {  	s0 =	rddreg [dreg:$0x14]  }
0xaf: {  	[tilespmem:s9], [sflag:$0x3] =	stream.indirect.gather [hbm4b:s3+s11], $0x80, s0, s11, $0xb8;
	[tilespmem:$0x1AD00] =	vst v63  }
0xb0: {  	_ =	swait.ge [sflag:s16], $0x6800  }
0xb1: {  	[sflag:s16] =	ssyncset.done $0x0  }
0xb2: {  	[sflag:s16] =	ssyncadd.s32 $0xFFFF9800  }
0xb3: {  	[hbm4b:s22+s2] =	stream.linear.scatter [tilespmem:s14], [sflag:$0x5], $0x6800, $0x38;
	[tilespmem:$0x1AD00] =	vst v63  }
0xb4: {  	s0 =	rddreg [dreg:$0x15]  }
0xb5: {  	[tilespmem:s8], [sflag:$0x4] =	stream.indirect.gather [hbm4b:s3+s11], $0x80, s0, s11, $0xb8;
	[tilespmem:$0x1AD00] =	vst v63  }
0xb6: {  	_ =	swait.ge [sflag:s15], $0x6800  }
0xb7: {  	[sflag:s15] =	ssyncset.done $0x0  }
0xb8: {  	s0 =	rddreg [dreg:$0x5];
	[sflag:s15] =	ssyncadd.s32 $0xFFFF9800  }
0xb9: {  	[hbm4b:s0+s2] =	stream.linear.scatter [tilespmem:s10], [sflag:$0x6], $0x6800, $0x38;
	[tilespmem:$0x1AD00] =	vst v63  }
0xba: {  	_ =	swait.ge [sflag:s5], $0x6800  }
0xbb: {  	[sflag:s5] =	ssyncset.done $0x0  }
0xbc: {  	[sflag:s5] =	ssyncadd.s32 $0xFFFF9800  }
0xbd: {  	[tilespmem:s14], [sflag:$0x1] =	stream.indirect.gather [hbm4b:s3+s11], $0x80, s30, s11, $0xb8;
	[tilespmem:$0x1AD00] =	vst v63  }
0xbe: {  	_ =	swait.ge [sflag:s13], $0x6800  }
0xbf: {  	[sflag:s13] =	ssyncset.done $0x0  }
0xc0: {  	s0 =	rddreg [dreg:$0x6];
	[sflag:s13] =	ssyncadd.s32 $0xFFFF9800  }
0xc1: {  	[hbm4b:s0+s2] =	stream.linear.scatter [tilespmem:s9], [sflag:$0x7], $0x6800, $0x38;
	[tilespmem:$0x1AD00] =	vst v63  }
0xc2: {  	_ =	swait.ge [sflag:s6], $0x6800  }
0xc3: {  	[sflag:s6] =	ssyncset.done $0x0  }
0xc4: {  	[sflag:s6] =	ssyncadd.s32 $0xFFFF9800  }
0xc5: {  	[tilespmem:s10], [sflag:$0x2] =	stream.indirect.gather [hbm4b:s3+s11], $0x80, s29, s11, $0xb8;
	[tilespmem:$0x1AD00] =	vst v63  }
0xc6: {  	_ =	swait.ge [sflag:s12], $0x6800  }
0xc7: {  	[sflag:s12] =	ssyncset.done $0x0  }
0xc8: {  	s0 =	rddreg [dreg:$0x7];
	[sflag:s12] =	ssyncadd.s32 $0xFFFF9800  }
0xc9: {  	[hbm4b:s0+s2] =	stream.linear.scatter [tilespmem:s8], [sflag:$0x8], $0x6800, $0x38;
	[tilespmem:$0x1AD00] =	vst v63  }
0xca: {  	_ =	swait.ge [sflag:s7], $0x6800  }
0xcb: {  	[sflag:s7] =	ssyncset.done $0x0  }
0xcc: {  	[sflag:s7] =	ssyncadd.s32 $0xFFFF9800  }
0xcd: {  	[tilespmem:s9], [sflag:$0x3] =	stream.indirect.gather [hbm4b:s3+s11], $0x80, s28, s11, $0xb8;
	[tilespmem:$0x1AD00] =	vst v63  }
0xce: {  	_ =	swait.ge [sflag:s16], $0x6800  }
0xcf: {  	[sflag:s16] =	ssyncset.done $0x0  }
0xd0: {  	s0 =	rddreg [dreg:$0x8];
	[sflag:s16] =	ssyncadd.s32 $0xFFFF9800  }
0xd1: {  	[hbm4b:s0+s2] =	stream.linear.scatter [tilespmem:s14], [sflag:$0x5], $0x6800, $0x38;
	[tilespmem:$0x1AD00] =	vst v63  }
0xd2: {  	_ =	swait.ge [sflag:s4], $0x6800  }
0xd3: {  	[sflag:s4] =	ssyncset.done $0x0  }
0xd4: {  	[sflag:s4] =	ssyncadd.s32 $0xFFFF9800  }
0xd5: {  	[tilespmem:s8], [sflag:$0x4] =	stream.indirect.gather [hbm4b:s3+s11], $0x80, s26, s11, $0xb8;
	[tilespmem:$0x1AD00] =	vst v63  }
0xd6: {  	_ =	swait.ge [sflag:s15], $0x6800  }
0xd7: {  	[sflag:s15] =	ssyncset.done $0x0  }
0xd8: {  	s0 =	rddreg [dreg:$0x9];
	[sflag:s15] =	ssyncadd.s32 $0xFFFF9800  }
0xd9: {  	[hbm4b:s0+s2] =	stream.linear.scatter [tilespmem:s10], [sflag:$0x6], $0x6800, $0x38;
	[tilespmem:$0x1AD00] =	vst v63  }
0xda: {  	_ =	swait.ge [sflag:s5], $0x6800  }
0xdb: {  	[sflag:s5] =	ssyncset.done $0x0  }
0xdc: {  	[sflag:s5] =	ssyncadd.s32 $0xFFFF9800  }
0xdd: {  	[tilespmem:s14], [sflag:$0x1] =	stream.indirect.gather [hbm4b:s3+s11], $0x80, s25, s11, $0xb8;
	[tilespmem:$0x1AD00] =	vst v63  }
0xde: {  	_ =	swait.ge [sflag:s13], $0x6800  }
0xdf: {  	[sflag:s13] =	ssyncset.done $0x0  }
0xe0: {  	s0 =	rddreg [dreg:$0xa];
	[sflag:s13] =	ssyncadd.s32 $0xFFFF9800  }
0xe1: {  	[hbm4b:s0+s2] =	stream.linear.scatter [tilespmem:s9], [sflag:$0x7], $0x6800, $0x38;
	[tilespmem:$0x1AD00] =	vst v63  }
0xe2: {  	_ =	swait.ge [sflag:s6], $0x6800  }
0xe3: {  	[sflag:s6] =	ssyncset.done $0x0  }
0xe4: {  	[sflag:s6] =	ssyncadd.s32 $0xFFFF9800  }
0xe5: {  	[tilespmem:s10], [sflag:$0x2] =	stream.indirect.gather [hbm4b:s3+s11], $0x80, s24, s11, $0xb8;
	[tilespmem:$0x1AD00] =	vst v63  }
0xe6: {  	_ =	swait.ge [sflag:s12], $0x6800  }
0xe7: {  	[sflag:s12] =	ssyncset.done $0x0  }
0xe8: {  	s0 =	rddreg [dreg:$0xb];
	[sflag:s12] =	ssyncadd.s32 $0xFFFF9800  }
0xe9: {  	[hbm4b:s0+s2] =	stream.linear.scatter [tilespmem:s8], [sflag:$0x8], $0x6800, $0x38;
	[tilespmem:$0x1AD00] =	vst v63  }
0xea: {  	_ =	swait.ge [sflag:s7], $0x6800  }
0xeb: {  	[sflag:s7] =	ssyncset.done $0x0  }
0xec: {  	[sflag:s7] =	ssyncadd.s32 $0xFFFF9800  }
0xed: {  	[tilespmem:s9], [sflag:$0x3] =	stream.indirect.gather [hbm4b:s3+s11], $0x80, s23, s11, $0xb8;
	[tilespmem:$0x1AD00] =	vst v63  }
0xee: {  	_ =	swait.ge [sflag:s16], $0x6800  }
0xef: {  	[sflag:s16] =	ssyncset.done $0x0  }
0xf0: {  	s0 =	rddreg [dreg:$0xc];
	[sflag:s16] =	ssyncadd.s32 $0xFFFF9800  }
0xf1: {  	[hbm4b:s0+s2] =	stream.linear.scatter [tilespmem:s14], [sflag:$0x5], $0x6800, $0x38;
	[tilespmem:$0x1AD00] =	vst v63  }
0xf2: {  	_ =	swait.ge [sflag:s4], $0x6800  }
0xf3: {  	[sflag:s4] =	ssyncset.done $0x0  }
0xf4: {  	[sflag:s4] =	ssyncadd.s32 $0xFFFF9800  }
0xf5: {  	[tilespmem:s8], [sflag:$0x4] =	stream.indirect.gather [hbm4b:s3+s11], $0x80, s21, s11, $0xb8;
	[tilespmem:$0x1AD00] =	vst v63  }
0xf6: {  	_ =	swait.ge [sflag:s15], $0x6800  }
0xf7: {  	[sflag:s15] =	ssyncset.done $0x0  }
0xf8: {  	s0 =	rddreg [dreg:$0xd];
	[sflag:s15] =	ssyncadd.s32 $0xFFFF9800  }
0xf9: {  	[hbm4b:s0+s2] =	stream.linear.scatter [tilespmem:s10], [sflag:$0x6], $0x6800, $0x38;
	[tilespmem:$0x1AD00] =	vst v63  }
0xfa: {  	_ =	swait.ge [sflag:s5], $0x6800  }
0xfb: {  	[sflag:s5] =	ssyncset.done $0x0  }
0xfc: {  	[sflag:s5] =	ssyncadd.s32 $0xFFFF9800  }
0xfd: {  	[tilespmem:s14], [sflag:$0x1] =	stream.indirect.gather [hbm4b:s3+s11], $0x80, s20, s11, $0xb8;
	[tilespmem:$0x1AD00] =	vst v63  }
0xfe: {  	_ =	swait.ge [sflag:s13], $0x6800  }
0xff: {  	[sflag:s13] =	ssyncset.done $0x0  }
0x100: {  	s0 =	rddreg [dreg:$0xe];
	[sflag:s13] =	ssyncadd.s32 $0xFFFF9800  }
0x101: {  	[hbm4b:s0+s2] =	stream.linear.scatter [tilespmem:s9], [sflag:$0x7], $0x6800, $0x38;
	[tilespmem:$0x1AD00] =	vst v63  }
0x102: {  	_ =	swait.ge [sflag:s6], $0x6800  }
0x103: {  	[sflag:s6] =	ssyncset.done $0x0  }
0x104: {  	[sflag:s6] =	ssyncadd.s32 $0xFFFF9800  }
0x105: {  	[tilespmem:s10], [sflag:$0x2] =	stream.indirect.gather [hbm4b:s3+s11], $0x80, s19, s11, $0xb8;
	[tilespmem:$0x1AD00] =	vst v63  }
0x106: {  	_ =	swait.ge [sflag:s12], $0x6800  }
0x107: {  	[sflag:s12] =	ssyncset.done $0x0  }
0x108: {  	s0 =	rddreg [dreg:$0xf];
	[sflag:s12] =	ssyncadd.s32 $0xFFFF9800  }
0x109: {  	[hbm4b:s0+s2] =	stream.linear.scatter [tilespmem:s8], [sflag:$0x8], $0x6800, $0x38;
	[tilespmem:$0x1AD00] =	vst v63  }
0x10a: {  	_ =	swait.ge [sflag:s7], $0x6800  }
0x10b: {  	[sflag:s7] =	ssyncset.done $0x0  }
0x10c: {  	[sflag:s7] =	ssyncadd.s32 $0xFFFF9800  }
0x10d: {  	[tilespmem:s9], [sflag:$0x3] =	stream.indirect.gather [hbm4b:s3+s11], $0x80, s18, s11, $0xb8;
	[tilespmem:$0x1AD00] =	vst v63  }
0x10e: {  	_ =	swait.ge [sflag:s16], $0x6800  }
0x10f: {  	[sflag:s16] =	ssyncset.done $0x0  }
0x110: {  	s0 =	rddreg [dreg:$0x10];
	[sflag:s16] =	ssyncadd.s32 $0xFFFF9800  }
0x111: {  	[hbm4b:s0+s2] =	stream.linear.scatter [tilespmem:s14], [sflag:$0x5], $0x6800, $0x38;
	[tilespmem:$0x1AD00] =	vst v63  }
0x112: {  	_ =	swait.ge [sflag:s4], $0x6800  }
0x113: {  	[sflag:s4] =	ssyncset.done $0x0  }
0x114: {  	[sflag:s4] =	ssyncadd.s32 $0xFFFF9800  }
0x115: {  	[tilespmem:s8], [sflag:$0x4] =	stream.indirect.gather [hbm4b:s3+s11], $0x80, s17, s11, $0xb8;
	[tilespmem:$0x1AD00] =	vst v63  }
0x116: {  	_ =	swait.ge [sflag:s15], $0x6800  }
0x117: {  	[sflag:s15] =	ssyncset.done $0x0  }
0x118: {  	s0 =	rddreg [dreg:$0x11];
	[sflag:s15] =	ssyncadd.s32 $0xFFFF9800  }
0x119: {  	[hbm4b:s0+s2] =	stream.linear.scatter [tilespmem:s10], [sflag:$0x6], $0x6800, $0x38;
	[tilespmem:$0x1AD00] =	vst v63  }
0x11a: {  	_ =	swait.ge [sflag:s13], $0x6800  }
0x11b: {  	[sflag:s13] =	ssyncset.done $0x0  }
0x11c: {  	s0 =	rddreg [dreg:$0x12];
	[sflag:s13] =	ssyncadd.s32 $0xFFFF9800  }
0x11d: {  	[hbm4b:s0+s2] =	stream.linear.scatter [tilespmem:s9], [sflag:$0x7], $0x6800, $0x38;
	[tilespmem:$0x1AD00] =	vst v63  }
0x11e: {  	_ =	swait.ge [sflag:s12], $0x6800  }
0x11f: {  	[sflag:s12] =	ssyncset.done $0x0  }
0x120: {  	s0 =	rddreg [dreg:$0x13];
	[sflag:s12] =	ssyncadd.s32 $0xFFFF9800  }
0x121: {  	[hbm4b:s0+s2] =	stream.linear.scatter [tilespmem:s8], [sflag:$0x8], $0x6800, $0x38;
	[tilespmem:$0x1AD00] =	vst v63  }
0x122: {  	_ =	swait.ge [sflag:s5], $0x6800  }
0x123: {  	[sflag:s5] =	ssyncset.done $0x0  }
0x124: {  	[sflag:s5] =	ssyncadd.s32 $0xFFFF9800  }
0x125: {  	_ =	swait.ge [sflag:s6], $0x6800  }
0x126: {  	[sflag:s6] =	ssyncset.done $0x0  }
0x127: {  	p1 =	sne.s32 s1, $0x1;
	[sflag:s6] =	ssyncadd.s32 $0xFFFF9800  }
.Ltmp2:
0x128: {  	_ =	swait.ge [sflag:s7], $0x6800;
	(pc) =	sbr.rel @p1 .LBB2_2-.Ltmp2, $4  }
0x129: {  	[sflag:s7] =	ssyncset.done $0x0  }
0x12a: {  	[sflag:s7] =	ssyncadd.s32 $0xFFFF9800  }
0x12b: {  	_ =	swait.ge [sflag:s4], $0x6800  }
0x12c: {  	s1 =	sadd.s32 $0xFFFFFFFF, s1;
	s0 =	rddreg [dreg:$0x4];
	[sflag:s4] =	ssyncset.done $0x0  }
.LBB2_3:
0x12d: {  	[sflag:s4] =	ssyncadd.s32 @p0 $0xFFFF9800  }
0x12e: {  	[tilespmem:s2], [sflag:$0x9] =	stream.linear.gather [hbm4b:s0+s2], $0xD00, $0x38;
	[tilespmem:$0x1AD00] =	vst v63  }
0x12f: {  	_ =	swait.ge [sflag:s31], $0xD00  }
0x130: {  	[sflag:s31] =	ssyncset.done $0x0  }
0x131: {  	[sflag:s31] =	ssyncadd.s32 $0xFFFFF300  }
0x132: {  	[tilespmem:s14], [sflag:$0x1] =	stream.indirect.gather [hbm4b:s3+s11], $0x80, s2, s11, $0xb8;
	[tilespmem:$0x1AD00] =	vst v63  }
0x133: {  	_ = 	snop  }
0x134: {  	[tilespmem:s10], [sflag:$0x2] =	stream.indirect.gather [hbm4b:s3+s11], $0x80, s11, s11, $0xb8;
	[tilespmem:$0x1AD00] =	vst v63  }
0x135: {  	s31 =	rddreg [dreg:$0x14]  }
0x136: {  	[tilespmem:s9], [sflag:$0x3] =	stream.indirect.gather [hbm4b:s3+s11], $0x80, s31, s11, $0xb8;
	[tilespmem:$0x1AD00] =	vst v63  }
0x137: {  	_ =	swait.ge [sflag:s16], $0x6800  }
0x138: {  	[sflag:s16] =	ssyncset.done $0x0  }
0x139: {  	[sflag:s16] =	ssyncadd.s32 $0xFFFF9800  }
0x13a: {  	[hbm4b:s22+s2] =	stream.linear.scatter [tilespmem:s14], [sflag:$0x5], $0x6800, $0x38;
	[tilespmem:$0x1AD00] =	vst v63  }
0x13b: {  	s1 =	rddreg [dreg:$0x15]  }
0x13c: {  	[tilespmem:s8], [sflag:$0x4] =	stream.indirect.gather [hbm4b:s3+s11], $0x80, s1, s11, $0xb8;
	[tilespmem:$0x1AD00] =	vst v63  }
0x13d: {  	_ =	swait.ge [sflag:s15], $0x6800  }
0x13e: {  	[sflag:s15] =	ssyncset.done $0x0  }
0x13f: {  	s31 =	rddreg [dreg:$0x5];
	[sflag:s15] =	ssyncadd.s32 $0xFFFF9800  }
0x140: {  	[hbm4b:s31+s2] =	stream.linear.scatter [tilespmem:s10], [sflag:$0x6], $0x6800, $0x38;
	[tilespmem:$0x1AD00] =	vst v63  }
0x141: {  	_ =	swait.ge [sflag:s5], $0x6800  }
0x142: {  	[sflag:s5] =	ssyncset.done $0x0  }
0x143: {  	[sflag:s5] =	ssyncadd.s32 $0xFFFF9800  }
0x144: {  	[tilespmem:s14], [sflag:$0x1] =	stream.indirect.gather [hbm4b:s3+s11], $0x80, s30, s11, $0xb8;
	[tilespmem:$0x1AD00] =	vst v63  }
0x145: {  	_ =	swait.ge [sflag:s13], $0x6800  }
0x146: {  	[sflag:s13] =	ssyncset.done $0x0  }
0x147: {  	s1 =	rddreg [dreg:$0x6];
	[sflag:s13] =	ssyncadd.s32 $0xFFFF9800  }
0x148: {  	[hbm4b:s1+s2] =	stream.linear.scatter [tilespmem:s9], [sflag:$0x7], $0x6800, $0x38;
	[tilespmem:$0x1AD00] =	vst v63  }
0x149: {  	_ =	swait.ge [sflag:s6], $0x6800  }
0x14a: {  	[sflag:s6] =	ssyncset.done $0x0  }
0x14b: {  	[sflag:s6] =	ssyncadd.s32 $0xFFFF9800  }
0x14c: {  	[tilespmem:s10], [sflag:$0x2] =	stream.indirect.gather [hbm4b:s3+s11], $0x80, s29, s11, $0xb8;
	[tilespmem:$0x1AD00] =	vst v63  }
0x14d: {  	_ =	swait.ge [sflag:s12], $0x6800  }
0x14e: {  	[sflag:s12] =	ssyncset.done $0x0  }
0x14f: {  	s22 =	rddreg [dreg:$0x7];
	[sflag:s12] =	ssyncadd.s32 $0xFFFF9800  }
0x150: {  	[hbm4b:s22+s2] =	stream.linear.scatter [tilespmem:s8], [sflag:$0x8], $0x6800, $0x38;
	[tilespmem:$0x1AD00] =	vst v63  }
0x151: {  	_ =	swait.ge [sflag:s7], $0x6800  }
0x152: {  	[sflag:s7] =	ssyncset.done $0x0  }
0x153: {  	[sflag:s7] =	ssyncadd.s32 $0xFFFF9800  }
0x154: {  	[tilespmem:s9], [sflag:$0x3] =	stream.indirect.gather [hbm4b:s3+s11], $0x80, s28, s11, $0xb8;
	[tilespmem:$0x1AD00] =	vst v63  }
0x155: {  	_ =	swait.ge [sflag:s16], $0x6800  }
0x156: {  	[sflag:s16] =	ssyncset.done $0x0  }
0x157: {  	s29 =	rddreg [dreg:$0x8];
	[sflag:s16] =	ssyncadd.s32 $0xFFFF9800  }
0x158: {  	[hbm4b:s29+s2] =	stream.linear.scatter [tilespmem:s14], [sflag:$0x5], $0x6800, $0x38;
	[tilespmem:$0x1AD00] =	vst v63  }
0x159: {  	_ =	swait.ge [sflag:s4], $0x6800  }
0x15a: {  	[sflag:s4] =	ssyncset.done $0x0  }
0x15b: {  	[sflag:s4] =	ssyncadd.s32 $0xFFFF9800  }
0x15c: {  	[tilespmem:s8], [sflag:$0x4] =	stream.indirect.gather [hbm4b:s3+s11], $0x80, s26, s11, $0xb8;
	[tilespmem:$0x1AD00] =	vst v63  }
0x15d: {  	_ =	swait.ge [sflag:s15], $0x6800  }
0x15e: {  	[sflag:s15] =	ssyncset.done $0x0  }
0x15f: {  	s30 =	rddreg [dreg:$0x9];
	[sflag:s15] =	ssyncadd.s32 $0xFFFF9800  }
0x160: {  	[hbm4b:s30+s2] =	stream.linear.scatter [tilespmem:s10], [sflag:$0x6], $0x6800, $0x38;
	[tilespmem:$0x1AD00] =	vst v63  }
0x161: {  	_ =	swait.ge [sflag:s5], $0x6800  }
0x162: {  	[sflag:s5] =	ssyncset.done $0x0  }
0x163: {  	[sflag:s5] =	ssyncadd.s32 $0xFFFF9800  }
0x164: {  	[tilespmem:s14], [sflag:$0x1] =	stream.indirect.gather [hbm4b:s3+s11], $0x80, s25, s11, $0xb8;
	[tilespmem:$0x1AD00] =	vst v63  }
0x165: {  	_ =	swait.ge [sflag:s13], $0x6800  }
0x166: {  	[sflag:s13] =	ssyncset.done $0x0  }
0x167: {  	s31 =	rddreg [dreg:$0xa];
	[sflag:s13] =	ssyncadd.s32 $0xFFFF9800  }
0x168: {  	[hbm4b:s31+s2] =	stream.linear.scatter [tilespmem:s9], [sflag:$0x7], $0x6800, $0x38;
	[tilespmem:$0x1AD00] =	vst v63  }
0x169: {  	_ =	swait.ge [sflag:s6], $0x6800  }
0x16a: {  	[sflag:s6] =	ssyncset.done $0x0  }
0x16b: {  	[sflag:s6] =	ssyncadd.s32 $0xFFFF9800  }
0x16c: {  	[tilespmem:s10], [sflag:$0x2] =	stream.indirect.gather [hbm4b:s3+s11], $0x80, s24, s11, $0xb8;
	[tilespmem:$0x1AD00] =	vst v63  }
0x16d: {  	_ =	swait.ge [sflag:s12], $0x6800  }
0x16e: {  	[sflag:s12] =	ssyncset.done $0x0  }
0x16f: {  	s1 =	rddreg [dreg:$0xb];
	[sflag:s12] =	ssyncadd.s32 $0xFFFF9800  }
0x170: {  	[hbm4b:s1+s2] =	stream.linear.scatter [tilespmem:s8], [sflag:$0x8], $0x6800, $0x38;
	[tilespmem:$0x1AD00] =	vst v63  }
0x171: {  	_ =	swait.ge [sflag:s7], $0x6800  }
0x172: {  	[sflag:s7] =	ssyncset.done $0x0  }
0x173: {  	[sflag:s7] =	ssyncadd.s32 $0xFFFF9800  }
0x174: {  	[tilespmem:s9], [sflag:$0x3] =	stream.indirect.gather [hbm4b:s3+s11], $0x80, s23, s11, $0xb8;
	[tilespmem:$0x1AD00] =	vst v63  }
0x175: {  	_ =	swait.ge [sflag:s16], $0x6800  }
0x176: {  	[sflag:s16] =	ssyncset.done $0x0  }
0x177: {  	s22 =	rddreg [dreg:$0xc];
	[sflag:s16] =	ssyncadd.s32 $0xFFFF9800  }
0x178: {  	[hbm4b:s22+s2] =	stream.linear.scatter [tilespmem:s14], [sflag:$0x5], $0x6800, $0x38;
	[tilespmem:$0x1AD00] =	vst v63  }
0x179: {  	_ =	swait.ge [sflag:s4], $0x6800  }
0x17a: {  	[sflag:s4] =	ssyncset.done $0x0  }
0x17b: {  	[sflag:s4] =	ssyncadd.s32 $0xFFFF9800  }
0x17c: {  	[tilespmem:s8], [sflag:$0x4] =	stream.indirect.gather [hbm4b:s3+s11], $0x80, s21, s11, $0xb8;
	[tilespmem:$0x1AD00] =	vst v63  }
0x17d: {  	_ =	swait.ge [sflag:s15], $0x6800  }
0x17e: {  	[sflag:s15] =	ssyncset.done $0x0  }
0x17f: {  	s23 =	rddreg [dreg:$0xd];
	[sflag:s15] =	ssyncadd.s32 $0xFFFF9800  }
0x180: {  	[hbm4b:s23+s2] =	stream.linear.scatter [tilespmem:s10], [sflag:$0x6], $0x6800, $0x38;
	[tilespmem:$0x1AD00] =	vst v63  }
0x181: {  	_ =	swait.ge [sflag:s5], $0x6800  }
0x182: {  	[sflag:s5] =	ssyncset.done $0x0  }
0x183: {  	[sflag:s5] =	ssyncadd.s32 $0xFFFF9800  }
0x184: {  	[tilespmem:s14], [sflag:$0x1] =	stream.indirect.gather [hbm4b:s3+s11], $0x80, s20, s11, $0xb8;
	[tilespmem:$0x1AD00] =	vst v63  }
0x185: {  	_ =	swait.ge [sflag:s13], $0x6800  }
0x186: {  	[sflag:s13] =	ssyncset.done $0x0  }
0x187: {  	s24 =	rddreg [dreg:$0xe];
	[sflag:s13] =	ssyncadd.s32 $0xFFFF9800  }
0x188: {  	[hbm4b:s24+s2] =	stream.linear.scatter [tilespmem:s9], [sflag:$0x7], $0x6800, $0x38;
	[tilespmem:$0x1AD00] =	vst v63  }
0x189: {  	_ =	swait.ge [sflag:s6], $0x6800  }
0x18a: {  	[sflag:s6] =	ssyncset.done $0x0  }
0x18b: {  	[sflag:s6] =	ssyncadd.s32 $0xFFFF9800  }
0x18c: {  	[tilespmem:s10], [sflag:$0x2] =	stream.indirect.gather [hbm4b:s3+s11], $0x80, s19, s11, $0xb8;
	[tilespmem:$0x1AD00] =	vst v63  }
0x18d: {  	_ =	swait.ge [sflag:s12], $0x6800  }
0x18e: {  	[sflag:s12] =	ssyncset.done $0x0  }
0x18f: {  	s25 =	rddreg [dreg:$0xf];
	[sflag:s12] =	ssyncadd.s32 $0xFFFF9800  }
0x190: {  	[hbm4b:s25+s2] =	stream.linear.scatter [tilespmem:s8], [sflag:$0x8], $0x6800, $0x38;
	[tilespmem:$0x1AD00] =	vst v63  }
0x191: {  	_ =	swait.ge [sflag:s7], $0x6800  }
0x192: {  	[sflag:s7] =	ssyncset.done $0x0  }
0x193: {  	[sflag:s7] =	ssyncadd.s32 $0xFFFF9800  }
0x194: {  	[tilespmem:s9], [sflag:$0x3] =	stream.indirect.gather [hbm4b:s3+s11], $0x80, s18, s11, $0xb8;
	[tilespmem:$0x1AD00] =	vst v63  }
0x195: {  	_ =	swait.ge [sflag:s16], $0x6800  }
0x196: {  	[sflag:s16] =	ssyncset.done $0x0  }
0x197: {  	s26 =	rddreg [dreg:$0x10];
	[sflag:s16] =	ssyncadd.s32 $0xFFFF9800  }
0x198: {  	[hbm4b:s26+s2] =	stream.linear.scatter [tilespmem:s14], [sflag:$0x5], $0x6800, $0x38;
	[tilespmem:$0x1AD00] =	vst v63  }
0x199: {  	_ =	swait.ge [sflag:s4], $0x6800  }
0x19a: {  	[sflag:s4] =	ssyncset.done $0x0  }
0x19b: {  	[sflag:s4] =	ssyncadd.s32 $0xFFFF9800  }
0x19c: {  	[tilespmem:s8], [sflag:$0x4] =	stream.indirect.gather [hbm4b:s3+s11], $0x80, s17, s11, $0xb8;
	[tilespmem:$0x1AD00] =	vst v63  }
0x19d: {  	_ =	swait.ge [sflag:s15], $0x6800  }
0x19e: {  	[sflag:s15] =	ssyncset.done $0x0  }
0x19f: {  	s28 =	rddreg [dreg:$0x11];
	[sflag:s15] =	ssyncadd.s32 $0xFFFF9800  }
0x1a0: {  	[hbm4b:s28+s2] =	stream.linear.scatter [tilespmem:s10], [sflag:$0x6], $0x6800, $0x38;
	[tilespmem:$0x1AD00] =	vst v63  }
0x1a1: {  	_ =	swait.ge [sflag:s13], $0x6800  }
0x1a2: {  	[sflag:s13] =	ssyncset.done $0x0  }
0x1a3: {  	s29 =	rddreg [dreg:$0x12];
	[sflag:s13] =	ssyncadd.s32 $0xFFFF9800  }
0x1a4: {  	[hbm4b:s29+s2] =	stream.linear.scatter [tilespmem:s9], [sflag:$0x7], $0x6800, $0x38;
	[tilespmem:$0x1AD00] =	vst v63  }
0x1a5: {  	_ =	swait.ge [sflag:s12], $0x6800  }
0x1a6: {  	[sflag:s12] =	ssyncset.done $0x0  }
0x1a7: {  	s30 =	rddreg [dreg:$0x13];
	[sflag:s12] =	ssyncadd.s32 $0xFFFF9800  }
0x1a8: {  	[hbm4b:s30+s2] =	stream.linear.scatter [tilespmem:s8], [sflag:$0x8], $0x6800, $0x38;
	[tilespmem:$0x1AD00] =	vst v63  }
0x1a9: {  	_ =	swait.ge [sflag:s5], $0x6800  }
0x1aa: {  	[sflag:s5] =	ssyncset.done $0x0  }
0x1ab: {  	[sflag:s5] =	ssyncadd.s32 $0xFFFF9800  }
0x1ac: {  	_ =	swait.ge [sflag:s6], $0x6800  }
0x1ad: {  	[sflag:s6] =	ssyncset.done $0x0  }
0x1ae: {  	[sflag:s6] =	ssyncadd.s32 $0xFFFF9800  }
0x1af: {  	_ =	swait.ge [sflag:s7], $0x6800  }
0x1b0: {  	[sflag:s7] =	ssyncset.done $0x0  }
0x1b1: {  	[sflag:s7] =	ssyncadd.s32 $0xFFFF9800  }
0x1b2: {  	_ =	swait.ge [sflag:s4], $0x6800  }
0x1b3: {  	[sflag:s4] =	ssyncset.done $0x0  }
0x1b4: {  	[sflag:s4] =	ssyncadd.s32 $0xFFFF9800  }
0x1b5: {  	_ =	sfence.sel $0x180000  }
0x1b6: {  	[bflag:$0x0] =	sbarrier.arrive $0xFFFF  }
0x1b7: {  	_ =	strace $0x90000047  }
0x1b8: {  	s31 =	stileid.u32;
	[bflag:$0x2] =	sbarrier.arrive $0xFFFF  }
0x1b9: {  	p0 =	sne.s32 s31, $0x0;
	s0 =	rddreg [dreg:$0x3]  }
0x1ba: {  	s0 =	sadd.s32 @!p0 $0x100000, s0  }
0x1bb: {  	[sflag:s0] =	ssyncadd.tile.s32 @!p0 $0x1;
	_ =	shalt  }
.Lfunc_end2:
_tile_overlayer_lowered:
.L_overlay_start_2:
0x1bc: {  	(tag) =	ssettag $0x2  }
0x1bd: {  	s0 =	rddreg [dreg:$0x0];
	s2 =	stileid.u32  }
0x1be: {  	s1 =	rddreg [dreg:$0x1];
	p0 =	sne.s32 s2, $0x0  }
0x1bf: {  	s3 =	rddreg [dreg:$0x2];
	[bflag:$0x3] =	sbarrier.arrive $0xFFFF;
	s2 =	simm.s32 @!p0 $0x1C09  }
0x1c0: {  	[timem:s3], [sflag:s2] =	dma.local @!p0 [hbm:s0], s1  }
0x1c1: {  	s0 =	simm.s32 @!p0 $0x9  }
0x1c2: {  	_ =	swait.ge @!p0 [sflag:s0], s1  }
0x1c3: {  	s1 =	ssub.s32 @!p0 $0x0, s1;
	[sflag:s0] =	ssyncset.done @!p0 $0x0  }
0x1c4: {  	[sflag:s0] =	ssyncadd.s32 @!p0 s1  }
0x1c5: {  	[bflag:$0x3] =	sbarrier.arrive $0xFFFF  }
0x1c6: {  	_ =	shalt  }

// kernel: sparse-core-data-format-call.cloned.1.call-start
scs
called_computation_lowered:
.L_overlay_start_0:
0x0: {  	s2 =	sld [smem:$0x3FD9]  }
0x1: {  	s3 =	sld [smem:$0x3FFE];
	_ =	sdelay $0x1  }
0x2: {  	s1 =	srdreg.scid  }
0x3: {  	s0 =	sand.u32 $0x1, s1  }
0x4: {  	s18 =	sshll.u32 s0, $0xA;
	s2 =	sadd.s32 s3, s2  }
0x5: {  	s2 =	sadd.s32 s2, s18  }
0x6: {  	[smem:$0x3FC6] =	sst s2  }
0x7: {  	_ = 	snop  }
0x8: {  	s2 =	sld [smem:$0x3FD0];
	(tm) =	ssettm $0x1  }
0x9: {  	s19 =	sld [smem:$0x3FFB];
	_ =	sdelay $0x3  }
0xa: {  	_ =	strace s19  }
0xb: {  	s3 =	sld [smem:$0x3FFC];
	_ =	sdelay $0x3  }
0xc: {  	_ =	strace s3  }
0xd: {  	s3 =	sld [smem:$0x3FFD];
	_ =	sdelay $0x3  }
0xe: {  	_ =	strace s3  }
0xf: {  	_ =	strace $0x8FFFFFFF  }
0x10: {  	s20 =	sld [smem:$0x3FDB];
	_ =	sdelay $0x1  }
0x11: {  	s4 =	simm.s32 $_scs_section_size  }
0x12: {  	s5 =	simm.s32 $_size__tile_overlayer_lowered;
	s6 =	simm.s32 $_tile_overlayer_lowered  }
0x13: {  	s23 =	simm.s32 $0x1BFF;
	s22 =	sshll.u32 s6, $0x1;
	s3 =	sadd.s32 s4, s20  }
0x14: {  	s7 =	simm.s32 $0x0;
	s21 =	sshll.u32 s5, $0x1;
	s5 =	sadd.s32 s22, s3  }
0x15: {  	[timem:s7], [sflag:s23] =	dma.local [hbm:s5], s21  }
0x16: {  	_ =	swait.ge [sflag:s23], s21  }
0x17: {  	s4 =	ssub.s32 $0x0, s21;
	[sflag:s23] =	ssyncset.done $0x0  }
0x18: {  	[sflag:s23] =	ssyncadd.s32 s4;
	_ =	sdelay $0x1  }
0x19: {  	s24 =	simm.s32 $0x1B8B  }
0x1a: {  	_ =	swait.ge [sflag:s24], $0x1  }
0x1b: {  	[sflag:s24] =	ssyncset.done $0x0  }
0x1c: {  	s26 =	simm.s32 $0x1B8E;
	s25 =	sld [smem:$0x3FFE];
	[sflag:s24] =	ssyncadd.s32 $0xFFFFFFFF  }
0x1d: {  	s27 =	simm.s32 $execute0_lowered;
	[smem:$0x3FD2] =	sst s26  }
0x1e: {  	s5 =	sshll.u32 s27, $0x1;
	_ =	strace $0x80000049;
	[dreg:$0x1] =	wrdreg $0xFFFFFFFF  }
0x1f: {  	s28 =	simm.s32 $_size_execute0_lowered;
	s3 =	sadd.s32 s3, s5;
	[dreg:$0x0] =	wrdreg $0x0  }
0x20: {  	s5 =	sshll.u32 s28, $0x1;
	[dreg:$0x2] =	wrdreg s3  }
0x21: {  	[dreg:$0x3] =	wrdreg s5  }
0x22: {  	[dreg:$0x4] =	wrdreg $0xC0  }
0x23: {  	_ =	task [dreg:s7], $0x5FFFF  }
0x24: {  	[dreg:$0x1] =	wrdreg $0xFFFFFFFF  }
0x25: {  	[dreg:$0x0] =	wrdreg $0x60  }
0x26: {  	[dreg:$0x2] =	wrdreg s25  }
0x27: {  	[dreg:$0x3] =	wrdreg s2  }
0x28: {  	[dreg:$0x4] =	wrdreg $0x9  }
0x29: {  	_ =	task.clear_ibuf [dreg:s7], $0x5FFFF;
	_ =	strace $0x90000049  }
0x2a: {  	s29 =	simm.s32 $0x9;
	_ =	strace $0x8000004B  }
0x2b: {  	_ =	swait.ge [sflag:s29], $0x1  }
0x2c: {  	[sflag:s29] =	ssyncadd.s32 $0xFFFFFFFF  }
0x2d: {  	_ =	strace $0x9000004B  }
0x2e: {  	_ =	sfence  }
0x2f: {  	s30 =	sld [smem:$0x0];
	_ =	sdelay $0x2  }
0x30: {  	s31 =	sshll.u32 s1, $0xD;
	s1 =	sshrl.u32 s1, $0x2  }
0x31: {  	s3 =	sand.u32 $0x4000, s31;
	s1 =	sadd.s32 s1, s30  }
0x32: {  	s0 =	sor.u32 s3, s0;
	s1 =	sshll.u32 s1, $0x11  }
0x33: {  	s0 =	sor.u32 s1, s0  }
0x34: {  	s0 =	sadd.s32 $0x8F2B, s0  }
0x35: {  	[sflag:s0] =	ssyncadd.remote.s32 $0x1  }
0x36: {  	_ =	sfence.sel $0xFFFF  }
0x37: {  	[dreg:$0x0] =	wrdreg $0xFFFFFFFF;
	(pc) =	sbr.abs _section_cstart, $3  }
0x38: {  	[dreg:$0x1] =	wrdreg $0xFFFFFFFF  }
0x39: {  	_ =	task.clear_ibuf [dreg:s7], $0x2FFFF;
	_ =	strace $0x9FFFFFFF  }
0x3a: {  	(tm) =	ssettm $0x7FFFFFFF  }
0x3b: {  	_ =	shalt  }
tec
execute0_lowered:
.L_overlay_start_1:
0x0: {  	(tag) =	ssettag $0x1  }
0x1: {  	s0 =	srdreg.scid  }
0x2: {  	s1 =	sshll.u32 s0, $0x4  }
0x3: {  	s0 =	stileid.u32;
	s1 =	sand.u32 $0x10, s1  }
0x4: {  	s1 =	sor.u32 s0, s1  }
0x5: {  	s6 =	rddreg [dreg:$0x0];
	s4 =	simm.s32 $0x1;
	s2 =	sshll.u32 s1, $0x6  }
0x6: {  	s7 =	simm.s32 $0x2;
	s13 =	simm.s32 $0x0;
	s1 =	ssub.s32 $0x1000, s2  }
0x7: {  	s8 =	simm.s32 $0x2000;
	s9 =	simm.s32 $0x80000;
	s3 =	sand.u32 $0x7C0, s1  }
0x8: {  	s14 =	simm.s32 $0x0;
	s5 =	sshrl.u32 s1, $0xB;
	p0 =	sne.s32 s3, $0x0  }
.Ltmp0:
0x9: {  	s1 =	rddreg [dreg:$0x2];
	s4 =	simm.s32 @!p0 $0x0;
	(pc) =	sbr.rel .LBB1_1-.Ltmp0, $4  }
0xa: {  	s10 =	simm.s32 $0x0;
	s3 =	rddreg [dreg:$0x1];
	s5 =	sadd.s32 s4, s5  }
0xb: {  	_ =	strace $0x8000004A;
	s4 =	simm.s32 $0x1;
	s5 =	smul.u32 $0xD, s5  }
0xc: {  	s12 =	simm.s32 $0x0;
	s6 =	sadd.s32 $0x800, s6;
	[sflag:s4] =	ssyncpa.u1 $0x0  }
0xd: {  	s11 =	smov.u32 s2;
	[sflag:s7] =	ssyncpa.u1 $0x0;
	s7 =	sadd.s32 $0x1, s5  }
.LBB1_7:
0xe: {  	s15 =	sadd.s32 $0x2, s10  }
0xf: {  	s13 =	sadd.s32 $0x800, s11;
	s17 =	smov.u32 s11;
	p1 =	sgt.s32 s15, $0x19  }
0x10: {  	s17 =	smov.u32 @p1 s13  }
0x11: {  	s15 =	simm.s32 @p1 $0x0;
	p1 =	sgt.s32 s17, $0xFFF  }
0x12: {  	s17 =	smov.u32 @p1 s2;
	p1 =	sne.s32 s12, s7  }
.Ltmp1:
0x13: {  	p0 =	slt.u32 s12, $0x2;
	(pc) =	sbr.rel @!p1 .LBB1_8-.Ltmp1, $4  }
0x14: {  	s16 =	simm.s32 @!p0 $0x2  }
0x15: {  	s14 =	smov.u32 s11;
	_ =	swait.ge @!p0 [sflag:s16], $0x4000  }
0x16: {  	s13 =	smov.u32 s10;
	[sflag:s16] =	ssyncset.done @!p0 $0x0;
	s10 =	smov.u32 s15  }
0x17: {  	s12 =	sadd.s32 $0x1, s12;
	[sflag:s16] =	ssyncadd.s32 @!p0 $0xFFFFC000;
	s11 =	smov.u32 s17  }
.LBB1_1:
0x18: {  	p0 =	sge.u32 s12, s5  }
0x19: {  	s31 =	sadd.s32 $0xFFFFFFFF, s12;
	s15 =	sxor.u32 @!p0 $0xFFFFFFFF, s12  }
0x1a: {  	s16 =	sshll.u32 @!p0 s11, $0x9;
	s17 =	sshll.u32 @!p0 s10, $0x4;
	s18 =	simm.s32 @!p0 $0x1000  }
0x1b: {  	s15 =	sshll.u32 @!p0 s15, $0xE;
	s17 =	sand.u32 @!p0 $0x1F0, s17;
	s16 =	sadd.s32 @!p0 s6, s16  }
0x1c: {  	s15 =	sand.u32 @!p0 $0x4000, s15;
	s16 =	sadd.s32 @!p0 s17, s16;
	s17 =	simm.s32 @!p0 $0x100  }
0x1d: {  	[tilespmem:s15], [sflag:$0x1] =	stream.strided.gather @!p0 [hbm4b:s16+s17], $0x4000, s18, s17, $0x38;
	[tilespmem:$0x10000] =	vst v63  }
0x1e: {  	p0 =	sge.u32 s31, s5  }
.Ltmp2:
0x1f: {  	_ = 	snop;
	(pc) =	sbr.rel @p0 .LBB1_7-.Ltmp2, $1  }
0x20: {  	_ =	sdelay $0x3  }
0x21: {  	_ =	swait.ge [sflag:s4], $0x4000;
	s15 =	sshll.u32 s12, $0xE  }
0x22: {  	[sflag:s4] =	ssyncset.done $0x0;
	s16 =	sand.u32 $0x4000, s15  }
0x23: {  	s17 =	simm.s32 $0x0;
	[sflag:s4] =	ssyncadd.s32 $0xFFFFC000;
	s15 =	sor.u32 $0x8000, s16  }
.LBB1_3:
0x24: {  	s18 =	sshll.u32 s17, $0x8  }
0x25: {  	s18 =	sand.u32 $0x3FFFFF00, s18  }
0x26: {  	s19 =	sshll.u32 s17, $0x7;
	s18 =	sadd.s32 s18, s16  }
0x27: {  	s19 =	sand.u32 $0x3FFFFF80, s19;
	v0 =	vmov s18  }
0x28: {  	s19 =	sadd.s32 s19, s15  }
0x29: {  	p0 =	por $0x1, $0x1;
	v1 =	vmov s19;
	s18 =	simm.s32 $0x0  }
.LBB1_4:
0x2a: {  	s19 =	sshll.u32 s18, $0x7  }
0x2b: {  	s19 =	sand.u32 $0x3FFFFF80, s19  }
0x2c: {  	v2 =	vld.idx.msk [tilespmem:v0+s19+$0x0 ss:$0x1], $0xffff  }
0x2d: {  	v3 =	vld.idx.msk [tilespmem:v0+s19+$0x10 ss:$0x1], $0xffff  }
0x2e: {  	v4 =	vld.idx.msk [tilespmem:v0+s19+$0x20 ss:$0x1], $0xffff  }
0x2f: {  	s31 =	sshll.u32 s18, $0xD;
	v5 =	vld.idx.msk [tilespmem:v0+s19+$0x30 ss:$0x1], $0xffff  }
0x30: {  	s18 =	sand.u32 $0x3FFFE000, s31;
	v6 =	vld.idx.msk [tilespmem:v0+s19+$0x40 ss:$0x1], $0xffff  }
0x31: {  	v63 =	vld.idx.msk [tilespmem:v0+s19+$0x70 ss:$0x1], $0xffff;
	[tilespmem:v1+s18+$0x0 ss:$0x1] =	vst.idx.msk $0xffff, v2  }
0x32: {  	v2 =	vld.idx.msk [tilespmem:v0+s19+$0x50 ss:$0x1], $0xffff;
	[tilespmem:v1+s18+$0x10 ss:$0x1] =	vst.idx.msk $0xffff, v3  }
0x33: {  	p1 =	por p0, p0;
	v3 =	vld.idx.msk [tilespmem:v0+s19+$0x60 ss:$0x1], $0xffff;
	[tilespmem:v1+s18+$0x20 ss:$0x1] =	vst.idx.msk $0xffff, v4  }
.Ltmp3:
0x34: {  	[tilespmem:v1+s18+$0x30 ss:$0x1] =	vst.idx.msk $0xffff, v5;
	(pc) =	sbr.rel @p1 .LBB1_4-.Ltmp3, $4  }
0x35: {  	[tilespmem:v1+s18+$0x40 ss:$0x1] =	vst.idx.msk $0xffff, v6  }
0x36: {  	[tilespmem:v1+s18+$0x70 ss:$0x1] =	vst.idx.msk $0xffff, v63  }
0x37: {  	[tilespmem:v1+s18+$0x50 ss:$0x1] =	vst.idx.msk $0xffff, v2  }
0x38: {  	p0 =	por $0x0, $0x0;
	[tilespmem:v1+s18+$0x60 ss:$0x1] =	vst.idx.msk $0xffff, v3;
	s18 =	simm.s32 $0x1  }
0x39: {  	s17 =	sadd.s32 $0x1, s17  }
0x3a: {  	p0 =	sne.s32 s17, $0x40  }
.Ltmp4:
0x3b: {  	_ = 	snop;
	(pc) =	sbr.rel @p0 .LBB1_3-.Ltmp4, $1  }
0x3c: {  	_ =	sdelay $0x3  }
.Ltmp5:
0x3d: {  	s14 =	sshll.u32 s14, $0x4;
	(pc) =	sbr.rel .LBB1_7-.Ltmp5, $4  }
0x3e: {  	s14 =	sand.u32 $0xFFF0, s14  }
0x3f: {  	s13 =	sshll.u32 s13, $0x10;
	s14 =	sadd.s32 s3, s14  }
0x40: {  	s13 =	sadd.s32 s13, s14  }
0x41: {  	[hbm4b:s13+s8] =	stream.strided.scatter [tilespmem:s15], [sflag:$0x2], $0x4000, s9, s8, $0x38;
	[tilespmem:$0x10000] =	vst v63  }
.LBB1_8:
0x42: {  	_ =	sfence.sel $0x180000  }
0x43: {  	s2 =	simm.s32 $0x1;
	[bflag:$0x0] =	sbarrier.arrive $0xFFFF  }
0x44: {  	s31 =	simm.s32 $0x2;
	[sflag:s2] =	ssyncpa.u1 $0x1  }
0x45: {  	[sflag:s31] =	ssyncpa.u1 $0x1  }
0x46: {  	p0 =	sne.s32 s0, $0x0;
	_ =	strace $0x9000004A  }
0x47: {  	s0 =	sadd.s32 @!p0 $0x100000, s1;
	[bflag:$0x2] =	sbarrier.arrive $0xFFFF  }
0x48: {  	[sflag:s0] =	ssyncadd.tile.s32 @!p0 $0x1;
	_ =	shalt  }
.Lfunc_end1:
_tile_overlayer_lowered:
.L_overlay_start_2:
0x49: {  	(tag) =	ssettag $0x2  }
0x4a: {  	s0 =	rddreg [dreg:$0x0];
	s2 =	stileid.u32  }
0x4b: {  	s1 =	rddreg [dreg:$0x1];
	p0 =	sne.s32 s2, $0x0  }
0x4c: {  	s3 =	rddreg [dreg:$0x2];
	[bflag:$0x3] =	sbarrier.arrive $0xFFFF;
	s2 =	simm.s32 @!p0 $0x1C01  }
0x4d: {  	[timem:s3], [sflag:s2] =	dma.local @!p0 [hbm:s0], s1  }
0x4e: {  	s0 =	simm.s32 @!p0 $0x1  }
0x4f: {  	_ =	swait.ge @!p0 [sflag:s0], s1  }
0x50: {  	s1 =	ssub.s32 @!p0 $0x0, s1;
	[sflag:s0] =	ssyncset.done @!p0 $0x0  }
0x51: {  	[sflag:s0] =	ssyncadd.s32 @!p0 s1  }
0x52: {  	[bflag:$0x3] =	sbarrier.arrive $0xFFFF  }
0x53: {  	_ =	shalt  }

</sc_bundles>
